<compile_context>
chip_gen: v7x
topology: tpu7x:2x2x1
jax: 0.10.2.dev20260603
libtpu: 0.0.44.dev20260713+nightly
codegen_flags: <defaults>
</compile_context>

<pallas_src>
import functools

import jax
import jax.numpy as jnp
from jax import lax
from jax.experimental import pallas as pl
from jax.experimental.pallas import tpu as pltpu
from jax.experimental.pallas import tpu_sc as plsc

NUM_EMBEDDINGS = 1000000
TABLE_DIM = 56
SHARED_DIM = 8
OUT_DIM = TABLE_DIM + SHARED_DIM
BATCH = 16384

NC = 2
NS = 16
NW = NC * NS
B_PER_W = BATCH // NW
HALF = B_PER_W // 2
NBUF = 4
B_PER_BUF = B_PER_W // NBUF


@functools.partial(
    pl.kernel,
    out_type=jax.ShapeDtypeStruct((BATCH, OUT_DIM), jnp.float32),
    mesh=plsc.VectorSubcoreMesh(
        core_axis_name="c", subcore_axis_name="s", num_cores=NC,
        num_subcores=NS),
    scratch_types=[
        pltpu.VMEM((B_PER_W,), jnp.int32),
        [pltpu.VMEM((B_PER_BUF, TABLE_DIM), jnp.float32)] * NBUF,
        pltpu.VMEM((HALF, OUT_DIM), jnp.float32),
        pltpu.VMEM((16,), jnp.float32),
        [pltpu.SemaphoreType.DMA] * NBUF,
    ],
    compiler_params=pltpu.CompilerParams(needs_layout_passes=False),
)
def _sc_embed(x_hbm, table_hbm, shared_hbm, out_hbm, idx_v, rows4, out_v,
              sh16_v, sems):
    wid = lax.axis_index("s") * NC + lax.axis_index("c")
    base = wid * B_PER_W

    pltpu.sync_copy(x_hbm.at[pl.ds(base, B_PER_W)], idx_v)

    @plsc.parallel_loop(0, B_PER_W // 16)
    def fire(g):
        vec = idx_v[pl.ds(g * 16, 16)]
        for k in range(16):
            r = vec[k]
            pltpu.async_copy(
                table_hbm.at[pl.ds(r, 1), :],
                rows4[k % NBUF].at[pl.ds(g * 4 + k // NBUF, 1), :],
                sems[k % NBUF],
            )

    pltpu.sync_copy(shared_hbm, sh16_v.at[pl.ds(0, SHARED_DIM)])
    pltpu.sync_copy(shared_hbm, sh16_v.at[pl.ds(SHARED_DIM, SHARED_DIM)])
    sh = sh16_v[...]
    iota = lax.iota(jnp.int32, 16)
    rowpat = lax.shift_right_logical(iota, 3)
    shcols = lax.add(lax.bitwise_and(iota, 7),
                     lax.broadcast(TABLE_DIM, (16,)))
    tailcols = lax.add(iota, lax.broadcast(40, (16,)))
    tailmask = iota >= 8

    for q in range(NBUF):
        pltpu.make_async_copy(
            table_hbm.at[pl.ds(0, B_PER_BUF), :], rows4[q], sems[q]).wait()

    for h in range(2):
        @plsc.parallel_loop(0, HALF // 2)
        def fill_body(i):
            rows = lax.add(lax.broadcast(i * 2, (16,)), rowpat)
            plsc.store_scatter(out_v, [rows, shcols], sh)

        for q in range(NBUF):
            buf = rows4[q]

            @plsc.parallel_loop(h * (B_PER_BUF // 2), (h + 1) *
                                (B_PER_BUF // 2))
            def row_body(s):
                r = lax.sub(lax.add(lax.mul(s, NBUF), q), h * HALF)
                out_v[r, pl.ds(0, 16)] = buf[s, pl.ds(0, 16)]
                out_v[r, pl.ds(16, 16)] = buf[s, pl.ds(16, 16)]
                out_v[r, pl.ds(32, 16)] = buf[s, pl.ds(32, 16)]
                tail = buf[s, pl.ds(40, 16)]
                rvec = lax.broadcast(r, (16,))
                plsc.store_scatter(out_v, [rvec, tailcols], tail,
                                   mask=tailmask)

        pltpu.sync_copy(out_v, out_hbm.at[pl.ds(base + h * HALF, HALF)])


def kernel(x, table, shared_embed):
    x1 = x.astype(jnp.int32)
    shared_flat = shared_embed.reshape(SHARED_DIM).astype(jnp.float32)
    out = _sc_embed(x1, table, shared_flat)
    return out[:, None, :]

# --- scband reference (transcript-rebuilt; emitter-appended) ---
"""Pipeline reference for scband-shared-embedding-46377056862828 (READ-ONLY COPY).

The authoritative reference and input builder live on the scoring server;
editing this copy changes nothing except your own understanding.
"""

import jax, jax.numpy as jnp
import numpy as np

NUM_EMBEDDINGS = 1000000
EMBEDDING_DIM = 64
SHARED_EMBED_DIV = 8
SHARED_DIM = EMBEDDING_DIM // SHARED_EMBED_DIV  # 8
TABLE_DIM = EMBEDDING_DIM - SHARED_DIM           # 56
BATCH = 16384

def setup_inputs(seed: int = 0) -> dict:
    key = jax.random.key(seed)
    k1, k2, k3 = jax.random.split(key, 3)
    x = jax.random.randint(k1, (BATCH,), 0, NUM_EMBEDDINGS, dtype=jnp.int64 if jax.config.jax_enable_x64 else jnp.int32)
    # trunc_normal_ approximation: normal().fmod(2) * std
    table = jnp.mod(jax.random.normal(k2, (NUM_EMBEDDINGS, TABLE_DIM), dtype=jnp.float32), 2.0) * 0.01
    shared_embed = jnp.mod(jax.random.normal(k3, (1, 1, SHARED_DIM), dtype=jnp.float32), 2.0) * 0.01
    return {"x": x, "table": table, "shared_embed": shared_embed}

def reference(x, table, shared_embed):
    # out = self.embed(x).unsqueeze(1)  -> [B, 1, TABLE_DIM]
    out = jnp.take(table, x, axis=0)[:, None, :]
    # shared_embed expanded to [B, 1, SHARED_DIM] and concatenated on last dim
    shared = jnp.broadcast_to(shared_embed, (out.shape[0], 1, shared_embed.shape[-1]))
    out = jnp.concatenate((out, shared), axis=-1)
    return out

if __name__ == "__main__":
    import jax
    _d = setup_inputs()
    print(jax.jit(kernel)(*tuple(_d.values())))

</pallas_src>

<mosaic_0001>
#map = affine_map<(d0, d1) -> (0)>
#map1 = affine_map<(d0, d1) -> (0, 0)>
module attributes {stable_mosaic.version = 14 : i64} {
  func.func @_sc_embed(%arg0: i32, %arg1: i32, %arg2: memref<16384xi32, #tpu.memory_space<hbm>>, %arg3: memref<1000000x56xf32, #tpu.memory_space<hbm>>, %arg4: memref<8xf32, #tpu.memory_space<hbm>>, %arg5: memref<16384x64xf32, #tpu.memory_space<hbm>>, %arg6: memref<512xi32, #tpu.memory_space<vmem>>, %arg7: memref<128x56xf32, #tpu.memory_space<vmem>>, %arg8: memref<128x56xf32, #tpu.memory_space<vmem>>, %arg9: memref<128x56xf32, #tpu.memory_space<vmem>>, %arg10: memref<128x56xf32, #tpu.memory_space<vmem>>, %arg11: memref<256x64xf32, #tpu.memory_space<vmem>>, %arg12: memref<16xf32, #tpu.memory_space<vmem>>, %arg13: memref<!tpu.dma_semaphore, #tpu.memory_space<semaphore_mem>>, %arg14: memref<!tpu.dma_semaphore, #tpu.memory_space<semaphore_mem>>, %arg15: memref<!tpu.dma_semaphore, #tpu.memory_space<semaphore_mem>>, %arg16: memref<!tpu.dma_semaphore, #tpu.memory_space<semaphore_mem>>) attributes {dimension_semantics = [#tpu.dimension_semantics<core_parallel>, #tpu.dimension_semantics<subcore_parallel>], iteration_bounds = array<i64: 2, 16>, scalar_prefetch = 0 : i64, scratch_operands = 11 : i64, tpu.core_type = #tpu.core_type<sc_vector_subcore>, window_params = [{transform_indices = #map}, {transform_indices = #map1}, {transform_indices = #map}, {transform_indices = #map1}]} {
    %mul3A = arith.constant 2 : i32
    %mul3A_0 = arith.muli %arg1, %mul3A : i32
    %add3A = arith.addi %mul3A_0, %arg0 : i32
    %mul3A_1 = arith.constant 512 : i32
    %mul3A_2 = arith.muli %add3A, %mul3A_1 : i32
    "tpu.region"() ({
      %run_scoped3A = tpu.sem_alloc : memref<!tpu.dma_semaphore, #tpu.memory_space<semaphore_mem>>
      %dma_start3A = tpu.memref_slice %arg2[%mul3A_2] : memref<16384xi32, #tpu.memory_space<hbm>> -> memref<512xi32, #tpu.memory_space<hbm>>
      %dma_start3A_74 = tpu.memref_slice %arg2[%mul3A_2] : memref<16384xi32, #tpu.memory_space<hbm>> -> memref<512xi32, #tpu.memory_space<hbm>>
      tpu.enqueue_dma source(%dma_start3A_74 : memref<512xi32, #tpu.memory_space<hbm>>) target(%arg6 : memref<512xi32, #tpu.memory_space<vmem>>) target_semaphore(%run_scoped3A : memref<!tpu.dma_semaphore, #tpu.memory_space<semaphore_mem>>)
      %dma_wait3A_75 = tpu.memref_slice %arg2[%mul3A_2] : memref<16384xi32, #tpu.memory_space<hbm>> -> memref<512xi32, #tpu.memory_space<hbm>>
      %dma_wait3A_76 = tpu.memref_slice %arg2[%mul3A_2] : memref<16384xi32, #tpu.memory_space<hbm>> -> memref<512xi32, #tpu.memory_space<hbm>>
      tpu.wait_dma2 semaphore(%run_scoped3A : memref<!tpu.dma_semaphore, #tpu.memory_space<semaphore_mem>>) src(%dma_wait3A_76 : memref<512xi32, #tpu.memory_space<hbm>>) dst(%arg6 : memref<512xi32, #tpu.memory_space<vmem>>)
      tpu.yield
    }) : () -> ()
    %parallel_loop3A = arith.constant 0 : i32
    %parallel_loop3A_3 = arith.constant 32 : i32
    %parallel_loop3A_4 = arith.constant 1 : i32
    scf.for %parallel_loop3A_74 = %parallel_loop3A to %parallel_loop3A_3 step %parallel_loop3A_4  : i32 {
      %parallel_loop3A_75 = arith.constant 16 : i32
      %parallel_loop3A_76 = arith.muli %parallel_loop3A_74, %parallel_loop3A_75 : i32
      %parallel_loop3A_77 = arith.index_cast %parallel_loop3A_76 : i32 to index
      %parallel_loop3A_78 = tpu.vector_load %arg6[%parallel_loop3A_77] {strides = array<i32>} : memref<512xi32, #tpu.memory_space<vmem>>, vector<16xi32>,
      %parallel_loop3A_79 = vector.extract_strided_slice %parallel_loop3A_78 {offsets = [0], sizes = [1], strides = [1]} : vector<16xi32> to vector<1xi32>
      %parallel_loop3A_80 = vector.extract %parallel_loop3A_79[0] : i32 from vector<1xi32>
      %parallel_loop3A_81 = arith.constant 4 : i32
      %parallel_loop3A_82 = arith.muli %parallel_loop3A_74, %parallel_loop3A_81 : i32
      %parallel_loop3A_83 = arith.constant 0 : i32
      %parallel_loop3A_84 = arith.addi %parallel_loop3A_82, %parallel_loop3A_83 : i32
      %parallel_loop3A_85 = arith.constant 0 : i32
      %parallel_loop3A_86 = tpu.memref_slice %arg7[%parallel_loop3A_84, %parallel_loop3A_85] : memref<128x56xf32, #tpu.memory_space<vmem>> -> memref<1x56xf32, #tpu.memory_space<vmem>>
      %parallel_loop3A_87 = arith.constant 0 : i32
      %parallel_loop3A_88 = tpu.memref_slice %arg3[%parallel_loop3A_80, %parallel_loop3A_87] : memref<1000000x56xf32, #tpu.memory_space<hbm>> -> memref<1x56xf32, #tpu.memory_space<hbm>>
      %parallel_loop3A_89 = arith.constant 0 : i32
      %parallel_loop3A_90 = tpu.memref_slice %arg7[%parallel_loop3A_84, %parallel_loop3A_89] : memref<128x56xf32, #tpu.memory_space<vmem>> -> memref<1x56xf32, #tpu.memory_space<vmem>>
      %parallel_loop3A_91 = arith.constant 0 : i32
      %parallel_loop3A_92 = tpu.memref_slice %arg3[%parallel_loop3A_80, %parallel_loop3A_91] : memref<1000000x56xf32, #tpu.memory_space<hbm>> -> memref<1x56xf32, #tpu.memory_space<hbm>>
      tpu.enqueue_dma source(%parallel_loop3A_92 : memref<1x56xf32, #tpu.memory_space<hbm>>) target(%parallel_loop3A_90 : memref<1x56xf32, #tpu.memory_space<vmem>>) target_semaphore(%arg13 : memref<!tpu.dma_semaphore, #tpu.memory_space<semaphore_mem>>)
      %parallel_loop3A_93 = vector.extract_strided_slice %parallel_loop3A_78 {offsets = [1], sizes = [1], strides = [1]} : vector<16xi32> to vector<1xi32>
      %parallel_loop3A_94 = vector.extract %parallel_loop3A_93[0] : i32 from vector<1xi32>
      %parallel_loop3A_95 = arith.constant 4 : i32
      %parallel_loop3A_96 = arith.muli %parallel_loop3A_74, %parallel_loop3A_95 : i32
      %parallel_loop3A_97 = arith.constant 0 : i32
      %parallel_loop3A_98 = arith.addi %parallel_loop3A_96, %parallel_loop3A_97 : i32
      %parallel_loop3A_99 = arith.constant 0 : i32
      %parallel_loop3A_100 = tpu.memref_slice %arg8[%parallel_loop3A_98, %parallel_loop3A_99] : memref<128x56xf32, #tpu.memory_space<vmem>> -> memref<1x56xf32, #tpu.memory_space<vmem>>
      %parallel_loop3A_101 = arith.constant 0 : i32
      %parallel_loop3A_102 = tpu.memref_slice %arg3[%parallel_loop3A_94, %parallel_loop3A_101] : memref<1000000x56xf32, #tpu.memory_space<hbm>> -> memref<1x56xf32, #tpu.memory_space<hbm>>
      %parallel_loop3A_103 = arith.constant 0 : i32
      %parallel_loop3A_104 = tpu.memref_slice %arg8[%parallel_loop3A_98, %parallel_loop3A_103] : memref<128x56xf32, #tpu.memory_space<vmem>> -> memref<1x56xf32, #tpu.memory_space<vmem>>
      %parallel_loop3A_105 = arith.constant 0 : i32
      %parallel_loop3A_106 = tpu.memref_slice %arg3[%parallel_loop3A_94, %parallel_loop3A_105] : memref<1000000x56xf32, #tpu.memory_space<hbm>> -> memref<1x56xf32, #tpu.memory_space<hbm>>
      tpu.enqueue_dma source(%parallel_loop3A_106 : memref<1x56xf32, #tpu.memory_space<hbm>>) target(%parallel_loop3A_104 : memref<1x56xf32, #tpu.memory_space<vmem>>) target_semaphore(%arg14 : memref<!tpu.dma_semaphore, #tpu.memory_space<semaphore_mem>>)
      %parallel_loop3A_107 = vector.extract_strided_slice %parallel_loop3A_78 {offsets = [2], sizes = [1], strides = [1]} : vector<16xi32> to vector<1xi32>
      %parallel_loop3A_108 = vector.extract %parallel_loop3A_107[0] : i32 from vector<1xi32>
      %parallel_loop3A_109 = arith.constant 4 : i32
      %parallel_loop3A_110 = arith.muli %parallel_loop3A_74, %parallel_loop3A_109 : i32
      %parallel_loop3A_111 = arith.constant 0 : i32
      %parallel_loop3A_112 = arith.addi %parallel_loop3A_110, %parallel_loop3A_111 : i32
      %parallel_loop3A_113 = arith.constant 0 : i32
      %parallel_loop3A_114 = tpu.memref_slice %arg9[%parallel_loop3A_112, %parallel_loop3A_113] : memref<128x56xf32, #tpu.memory_space<vmem>> -> memref<1x56xf32, #tpu.memory_space<vmem>>
      %parallel_loop3A_115 = arith.constant 0 : i32
      %parallel_loop3A_116 = tpu.memref_slice %arg3[%parallel_loop3A_108, %parallel_loop3A_115] : memref<1000000x56xf32, #tpu.memory_space<hbm>> -> memref<1x56xf32, #tpu.memory_space<hbm>>
      %parallel_loop3A_117 = arith.constant 0 : i32
      %parallel_loop3A_118 = tpu.memref_slice %arg9[%parallel_loop3A_112, %parallel_loop3A_117] : memref<128x56xf32, #tpu.memory_space<vmem>> -> memref<1x56xf32, #tpu.memory_space<vmem>>
      %parallel_loop3A_119 = arith.constant 0 : i32
      %parallel_loop3A_120 = tpu.memref_slice %arg3[%parallel_loop3A_108, %parallel_loop3A_119] : memref<1000000x56xf32, #tpu.memory_space<hbm>> -> memref<1x56xf32, #tpu.memory_space<hbm>>
      tpu.enqueue_dma source(%parallel_loop3A_120 : memref<1x56xf32, #tpu.memory_space<hbm>>) target(%parallel_loop3A_118 : memref<1x56xf32, #tpu.memory_space<vmem>>) target_semaphore(%arg15 : memref<!tpu.dma_semaphore, #tpu.memory_space<semaphore_mem>>)
      %parallel_loop3A_121 = vector.extract_strided_slice %parallel_loop3A_78 {offsets = [3], sizes = [1], strides = [1]} : vector<16xi32> to vector<1xi32>
      %parallel_loop3A_122 = vector.extract %parallel_loop3A_121[0] : i32 from vector<1xi32>
      %parallel_loop3A_123 = arith.constant 4 : i32
      %parallel_loop3A_124 = arith.muli %parallel_loop3A_74, %parallel_loop3A_123 : i32
      %parallel_loop3A_125 = arith.constant 0 : i32
      %parallel_loop3A_126 = arith.addi %parallel_loop3A_124, %parallel_loop3A_125 : i32
      %parallel_loop3A_127 = arith.constant 0 : i32
      %parallel_loop3A_128 = tpu.memref_slice %arg10[%parallel_loop3A_126, %parallel_loop3A_127] : memref<128x56xf32, #tpu.memory_space<vmem>> -> memref<1x56xf32, #tpu.memory_space<vmem>>
      %parallel_loop3A_129 = arith.constant 0 : i32
      %parallel_loop3A_130 = tpu.memref_slice %arg3[%parallel_loop3A_122, %parallel_loop3A_129] : memref<1000000x56xf32, #tpu.memory_space<hbm>> -> memref<1x56xf32, #tpu.memory_space<hbm>>
      %parallel_loop3A_131 = arith.constant 0 : i32
      %parallel_loop3A_132 = tpu.memref_slice %arg10[%parallel_loop3A_126, %parallel_loop3A_131] : memref<128x56xf32, #tpu.memory_space<vmem>> -> memref<1x56xf32, #tpu.memory_space<vmem>>
      %parallel_loop3A_133 = arith.constant 0 : i32
      %parallel_loop3A_134 = tpu.memref_slice %arg3[%parallel_loop3A_122, %parallel_loop3A_133] : memref<1000000x56xf32, #tpu.memory_space<hbm>> -> memref<1x56xf32, #tpu.memory_space<hbm>>
      tpu.enqueue_dma source(%parallel_loop3A_134 : memref<1x56xf32, #tpu.memory_space<hbm>>) target(%parallel_loop3A_132 : memref<1x56xf32, #tpu.memory_space<vmem>>) target_semaphore(%arg16 : memref<!tpu.dma_semaphore, #tpu.memory_space<semaphore_mem>>)
      %parallel_loop3A_135 = vector.extract_strided_slice %parallel_loop3A_78 {offsets = [4], sizes = [1], strides = [1]} : vector<16xi32> to vector<1xi32>
      %parallel_loop3A_136 = vector.extract %parallel_loop3A_135[0] : i32 from vector<1xi32>
      %parallel_loop3A_137 = arith.constant 4 : i32
      %parallel_loop3A_138 = arith.muli %parallel_loop3A_74, %parallel_loop3A_137 : i32
      %parallel_loop3A_139 = arith.constant 1 : i32
      %parallel_loop3A_140 = arith.addi %parallel_loop3A_138, %parallel_loop3A_139 : i32
      %parallel_loop3A_141 = arith.constant 0 : i32
      %parallel_loop3A_142 = tpu.memref_slice %arg7[%parallel_loop3A_140, %parallel_loop3A_141] : memref<128x56xf32, #tpu.memory_space<vmem>> -> memref<1x56xf32, #tpu.memory_space<vmem>>
      %parallel_loop3A_143 = arith.constant 0 : i32
      %parallel_loop3A_144 = tpu.memref_slice %arg3[%parallel_loop3A_136, %parallel_loop3A_143] : memref<1000000x56xf32, #tpu.memory_space<hbm>> -> memref<1x56xf32, #tpu.memory_space<hbm>>
      %parallel_loop3A_145 = arith.constant 0 : i32
      %parallel_loop3A_146 = tpu.memref_slice %arg7[%parallel_loop3A_140, %parallel_loop3A_145] : memref<128x56xf32, #tpu.memory_space<vmem>> -> memref<1x56xf32, #tpu.memory_space<vmem>>
      %parallel_loop3A_147 = arith.constant 0 : i32
      %parallel_loop3A_148 = tpu.memref_slice %arg3[%parallel_loop3A_136, %parallel_loop3A_147] : memref<1000000x56xf32, #tpu.memory_space<hbm>> -> memref<1x56xf32, #tpu.memory_space<hbm>>
      tpu.enqueue_dma source(%parallel_loop3A_148 : memref<1x56xf32, #tpu.memory_space<hbm>>) target(%parallel_loop3A_146 : memref<1x56xf32, #tpu.memory_space<vmem>>) target_semaphore(%arg13 : memref<!tpu.dma_semaphore, #tpu.memory_space<semaphore_mem>>)
      %parallel_loop3A_149 = vector.extract_strided_slice %parallel_loop3A_78 {offsets = [5], sizes = [1], strides = [1]} : vector<16xi32> to vector<1xi32>
      %parallel_loop3A_150 = vector.extract %parallel_loop3A_149[0] : i32 from vector<1xi32>
      %parallel_loop3A_151 = arith.constant 4 : i32
      %parallel_loop3A_152 = arith.muli %parallel_loop3A_74, %parallel_loop3A_151 : i32
      %parallel_loop3A_153 = arith.constant 1 : i32
      %parallel_loop3A_154 = arith.addi %parallel_loop3A_152, %parallel_loop3A_153 : i32
      %parallel_loop3A_155 = arith.constant 0 : i32
      %parallel_loop3A_156 = tpu.memref_slice %arg8[%parallel_loop3A_154, %parallel_loop3A_155] : memref<128x56xf32, #tpu.memory_space<vmem>> -> memref<1x56xf32, #tpu.memory_space<vmem>>
      %parallel_loop3A_157 = arith.constant 0 : i32
      %parallel_loop3A_158 = tpu.memref_slice %arg3[%parallel_loop3A_150, %parallel_loop3A_157] : memref<1000000x56xf32, #tpu.memory_space<hbm>> -> memref<1x56xf32, #tpu.memory_space<hbm>>
      %parallel_loop3A_159 = arith.constant 0 : i32
      %parallel_loop3A_160 = tpu.memref_slice %arg8[%parallel_loop3A_154, %parallel_loop3A_159] : memref<128x56xf32, #tpu.memory_space<vmem>> -> memref<1x56xf32, #tpu.memory_space<vmem>>
      %parallel_loop3A_161 = arith.constant 0 : i32
      %parallel_loop3A_162 = tpu.memref_slice %arg3[%parallel_loop3A_150, %parallel_loop3A_161] : memref<1000000x56xf32, #tpu.memory_space<hbm>> -> memref<1x56xf32, #tpu.memory_space<hbm>>
      tpu.enqueue_dma source(%parallel_loop3A_162 : memref<1x56xf32, #tpu.memory_space<hbm>>) target(%parallel_loop3A_160 : memref<1x56xf32, #tpu.memory_space<vmem>>) target_semaphore(%arg14 : memref<!tpu.dma_semaphore, #tpu.memory_space<semaphore_mem>>)
      %parallel_loop3A_163 = vector.extract_strided_slice %parallel_loop3A_78 {offsets = [6], sizes = [1], strides = [1]} : vector<16xi32> to vector<1xi32>
      %parallel_loop3A_164 = vector.extract %parallel_loop3A_163[0] : i32 from vector<1xi32>
      %parallel_loop3A_165 = arith.constant 4 : i32
      %parallel_loop3A_166 = arith.muli %parallel_loop3A_74, %parallel_loop3A_165 : i32
      %parallel_loop3A_167 = arith.constant 1 : i32
      %parallel_loop3A_168 = arith.addi %parallel_loop3A_166, %parallel_loop3A_167 : i32
      %parallel_loop3A_169 = arith.constant 0 : i32
      %parallel_loop3A_170 = tpu.memref_slice %arg9[%parallel_loop3A_168, %parallel_loop3A_169] : memref<128x56xf32, #tpu.memory_space<vmem>> -> memref<1x56xf32, #tpu.memory_space<vmem>>
      %parallel_loop3A_171 = arith.constant 0 : i32
      %parallel_loop3A_172 = tpu.memref_slice %arg3[%parallel_loop3A_164, %parallel_loop3A_171] : memref<1000000x56xf32, #tpu.memory_space<hbm>> -> memref<1x56xf32, #tpu.memory_space<hbm>>
      %parallel_loop3A_173 = arith.constant 0 : i32
      %parallel_loop3A_174 = tpu.memref_slice %arg9[%parallel_loop3A_168, %parallel_loop3A_173] : memref<128x56xf32, #tpu.memory_space<vmem>> -> memref<1x56xf32, #tpu.memory_space<vmem>>
      %parallel_loop3A_175 = arith.constant 0 : i32
      %parallel_loop3A_176 = tpu.memref_slice %arg3[%parallel_loop3A_164, %parallel_loop3A_175] : memref<1000000x56xf32, #tpu.memory_space<hbm>> -> memref<1x56xf32, #tpu.memory_space<hbm>>
      tpu.enqueue_dma source(%parallel_loop3A_176 : memref<1x56xf32, #tpu.memory_space<hbm>>) target(%parallel_loop3A_174 : memref<1x56xf32, #tpu.memory_space<vmem>>) target_semaphore(%arg15 : memref<!tpu.dma_semaphore, #tpu.memory_space<semaphore_mem>>)
      %parallel_loop3A_177 = vector.extract_strided_slice %parallel_loop3A_78 {offsets = [7], sizes = [1], strides = [1]} : vector<16xi32> to vector<1xi32>
      %parallel_loop3A_178 = vector.extract %parallel_loop3A_177[0] : i32 from vector<1xi32>
      %parallel_loop3A_179 = arith.constant 4 : i32
      %parallel_loop3A_180 = arith.muli %parallel_loop3A_74, %parallel_loop3A_179 : i32
      %parallel_loop3A_181 = arith.constant 1 : i32
      %parallel_loop3A_182 = arith.addi %parallel_loop3A_180, %parallel_loop3A_181 : i32
      %parallel_loop3A_183 = arith.constant 0 : i32
      %parallel_loop3A_184 = tpu.memref_slice %arg10[%parallel_loop3A_182, %parallel_loop3A_183] : memref<128x56xf32, #tpu.memory_space<vmem>> -> memref<1x56xf32, #tpu.memory_space<vmem>>
      %parallel_loop3A_185 = arith.constant 0 : i32
      %parallel_loop3A_186 = tpu.memref_slice %arg3[%parallel_loop3A_178, %parallel_loop3A_185] : memref<1000000x56xf32, #tpu.memory_space<hbm>> -> memref<1x56xf32, #tpu.memory_space<hbm>>
      %parallel_loop3A_187 = arith.constant 0 : i32
      %parallel_loop3A_188 = tpu.memref_slice %arg10[%parallel_loop3A_182, %parallel_loop3A_187] : memref<128x56xf32, #tpu.memory_space<vmem>> -> memref<1x56xf32, #tpu.memory_space<vmem>>
      %parallel_loop3A_189 = arith.constant 0 : i32
      %parallel_loop3A_190 = tpu.memref_slice %arg3[%parallel_loop3A_178, %parallel_loop3A_189] : memref<1000000x56xf32, #tpu.memory_space<hbm>> -> memref<1x56xf32, #tpu.memory_space<hbm>>
      tpu.enqueue_dma source(%parallel_loop3A_190 : memref<1x56xf32, #tpu.memory_space<hbm>>) target(%parallel_loop3A_188 : memref<1x56xf32, #tpu.memory_space<vmem>>) target_semaphore(%arg16 : memref<!tpu.dma_semaphore, #tpu.memory_space<semaphore_mem>>)
      %parallel_loop3A_191 = vector.extract_strided_slice %parallel_loop3A_78 {offsets = [8], sizes = [1], strides = [1]} : vector<16xi32> to vector<1xi32>
      %parallel_loop3A_192 = vector.extract %parallel_loop3A_191[0] : i32 from vector<1xi32>
      %parallel_loop3A_193 = arith.constant 4 : i32
      %parallel_loop3A_194 = arith.muli %parallel_loop3A_74, %parallel_loop3A_193 : i32
      %parallel_loop3A_195 = arith.constant 2 : i32
      %parallel_loop3A_196 = arith.addi %parallel_loop3A_194, %parallel_loop3A_195 : i32
      %parallel_loop3A_197 = arith.constant 0 : i32
      %parallel_loop3A_198 = tpu.memref_slice %arg7[%parallel_loop3A_196, %parallel_loop3A_197] : memref<128x56xf32, #tpu.memory_space<vmem>> -> memref<1x56xf32, #tpu.memory_space<vmem>>
      %parallel_loop3A_199 = arith.constant 0 : i32
      %parallel_loop3A_200 = tpu.memref_slice %arg3[%parallel_loop3A_192, %parallel_loop3A_199] : memref<1000000x56xf32, #tpu.memory_space<hbm>> -> memref<1x56xf32, #tpu.memory_space<hbm>>
      %parallel_loop3A_201 = arith.constant 0 : i32
      %parallel_loop3A_202 = tpu.memref_slice %arg7[%parallel_loop3A_196, %parallel_loop3A_201] : memref<128x56xf32, #tpu.memory_space<vmem>> -> memref<1x56xf32, #tpu.memory_space<vmem>>
      %parallel_loop3A_203 = arith.constant 0 : i32
      %parallel_loop3A_204 = tpu.memref_slice %arg3[%parallel_loop3A_192, %parallel_loop3A_203] : memref<1000000x56xf32, #tpu.memory_space<hbm>> -> memref<1x56xf32, #tpu.memory_space<hbm>>
      tpu.enqueue_dma source(%parallel_loop3A_204 : memref<1x56xf32, #tpu.memory_space<hbm>>) target(%parallel_loop3A_202 : memref<1x56xf32, #tpu.memory_space<vmem>>) target_semaphore(%arg13 : memref<!tpu.dma_semaphore, #tpu.memory_space<semaphore_mem>>)
      %parallel_loop3A_205 = vector.extract_strided_slice %parallel_loop3A_78 {offsets = [9], sizes = [1], strides = [1]} : vector<16xi32> to vector<1xi32>
      %parallel_loop3A_206 = vector.extract %parallel_loop3A_205[0] : i32 from vector<1xi32>
      %parallel_loop3A_207 = arith.constant 4 : i32
      %parallel_loop3A_208 = arith.muli %parallel_loop3A_74, %parallel_loop3A_207 : i32
      %parallel_loop3A_209 = arith.constant 2 : i32
      %parallel_loop3A_210 = arith.addi %parallel_loop3A_208, %parallel_loop3A_209 : i32
      %parallel_loop3A_211 = arith.constant 0 : i32
      %parallel_loop3A_212 = tpu.memref_slice %arg8[%parallel_loop3A_210, %parallel_loop3A_211] : memref<128x56xf32, #tpu.memory_space<vmem>> -> memref<1x56xf32, #tpu.memory_space<vmem>>
      %parallel_loop3A_213 = arith.constant 0 : i32
      %parallel_loop3A_214 = tpu.memref_slice %arg3[%parallel_loop3A_206, %parallel_loop3A_213] : memref<1000000x56xf32, #tpu.memory_space<hbm>> -> memref<1x56xf32, #tpu.memory_space<hbm>>
      %parallel_loop3A_215 = arith.constant 0 : i32
      %parallel_loop3A_216 = tpu.memref_slice %arg8[%parallel_loop3A_210, %parallel_loop3A_215] : memref<128x56xf32, #tpu.memory_space<vmem>> -> memref<1x56xf32, #tpu.memory_space<vmem>>
      %parallel_loop3A_217 = arith.constant 0 : i32
      %parallel_loop3A_218 = tpu.memref_slice %arg3[%parallel_loop3A_206, %parallel_loop3A_217] : memref<1000000x56xf32, #tpu.memory_space<hbm>> -> memref<1x56xf32, #tpu.memory_space<hbm>>
      tpu.enqueue_dma source(%parallel_loop3A_218 : memref<1x56xf32, #tpu.memory_space<hbm>>) target(%parallel_loop3A_216 : memref<1x56xf32, #tpu.memory_space<vmem>>) target_semaphore(%arg14 : memref<!tpu.dma_semaphore, #tpu.memory_space<semaphore_mem>>)
      %parallel_loop3A_219 = vector.extract_strided_slice %parallel_loop3A_78 {offsets = [10], sizes = [1], strides = [1]} : vector<16xi32> to vector<1xi32>
      %parallel_loop3A_220 = vector.extract %parallel_loop3A_219[0] : i32 from vector<1xi32>
      %parallel_loop3A_221 = arith.constant 4 : i32
      %parallel_loop3A_222 = arith.muli %parallel_loop3A_74, %parallel_loop3A_221 : i32
      %parallel_loop3A_223 = arith.constant 2 : i32
      %parallel_loop3A_224 = arith.addi %parallel_loop3A_222, %parallel_loop3A_223 : i32
      %parallel_loop3A_225 = arith.constant 0 : i32
      %parallel_loop3A_226 = tpu.memref_slice %arg9[%parallel_loop3A_224, %parallel_loop3A_225] : memref<128x56xf32, #tpu.memory_space<vmem>> -> memref<1x56xf32, #tpu.memory_space<vmem>>
      %parallel_loop3A_227 = arith.constant 0 : i32
      %parallel_loop3A_228 = tpu.memref_slice %arg3[%parallel_loop3A_220, %parallel_loop3A_227] : memref<1000000x56xf32, #tpu.memory_space<hbm>> -> memref<1x56xf32, #tpu.memory_space<hbm>>
      %parallel_loop3A_229 = arith.constant 0 : i32
      %parallel_loop3A_230 = tpu.memref_slice %arg9[%parallel_loop3A_224, %parallel_loop3A_229] : memref<128x56xf32, #tpu.memory_space<vmem>> -> memref<1x56xf32, #tpu.memory_space<vmem>>
      %parallel_loop3A_231 = arith.constant 0 : i32
      %parallel_loop3A_232 = tpu.memref_slice %arg3[%parallel_loop3A_220, %parallel_loop3A_231] : memref<1000000x56xf32, #tpu.memory_space<hbm>> -> memref<1x56xf32, #tpu.memory_space<hbm>>
      tpu.enqueue_dma source(%parallel_loop3A_232 : memref<1x56xf32, #tpu.memory_space<hbm>>) target(%parallel_loop3A_230 : memref<1x56xf32, #tpu.memory_space<vmem>>) target_semaphore(%arg15 : memref<!tpu.dma_semaphore, #tpu.memory_space<semaphore_mem>>)
      %parallel_loop3A_233 = vector.extract_strided_slice %parallel_loop3A_78 {offsets = [11], sizes = [1], strides = [1]} : vector<16xi32> to vector<1xi32>
      %parallel_loop3A_234 = vector.extract %parallel_loop3A_233[0] : i32 from vector<1xi32>
      %parallel_loop3A_235 = arith.constant 4 : i32
      %parallel_loop3A_236 = arith.muli %parallel_loop3A_74, %parallel_loop3A_235 : i32
      %parallel_loop3A_237 = arith.constant 2 : i32
      %parallel_loop3A_238 = arith.addi %parallel_loop3A_236, %parallel_loop3A_237 : i32
      %parallel_loop3A_239 = arith.constant 0 : i32
      %parallel_loop3A_240 = tpu.memref_slice %arg10[%parallel_loop3A_238, %parallel_loop3A_239] : memref<128x56xf32, #tpu.memory_space<vmem>> -> memref<1x56xf32, #tpu.memory_space<vmem>>
      %parallel_loop3A_241 = arith.constant 0 : i32
      %parallel_loop3A_242 = tpu.memref_slice %arg3[%parallel_loop3A_234, %parallel_loop3A_241] : memref<1000000x56xf32, #tpu.memory_space<hbm>> -> memref<1x56xf32, #tpu.memory_space<hbm>>
      %parallel_loop3A_243 = arith.constant 0 : i32
      %parallel_loop3A_244 = tpu.memref_slice %arg10[%parallel_loop3A_238, %parallel_loop3A_243] : memref<128x56xf32, #tpu.memory_space<vmem>> -> memref<1x56xf32, #tpu.memory_space<vmem>>
      %parallel_loop3A_245 = arith.constant 0 : i32
      %parallel_loop3A_246 = tpu.memref_slice %arg3[%parallel_loop3A_234, %parallel_loop3A_245] : memref<1000000x56xf32, #tpu.memory_space<hbm>> -> memref<1x56xf32, #tpu.memory_space<hbm>>
      tpu.enqueue_dma source(%parallel_loop3A_246 : memref<1x56xf32, #tpu.memory_space<hbm>>) target(%parallel_loop3A_244 : memref<1x56xf32, #tpu.memory_space<vmem>>) target_semaphore(%arg16 : memref<!tpu.dma_semaphore, #tpu.memory_space<semaphore_mem>>)
      %parallel_loop3A_247 = vector.extract_strided_slice %parallel_loop3A_78 {offsets = [12], sizes = [1], strides = [1]} : vector<16xi32> to vector<1xi32>
      %parallel_loop3A_248 = vector.extract %parallel_loop3A_247[0] : i32 from vector<1xi32>
      %parallel_loop3A_249 = arith.constant 4 : i32
      %parallel_loop3A_250 = arith.muli %parallel_loop3A_74, %parallel_loop3A_249 : i32
      %parallel_loop3A_251 = arith.constant 3 : i32
      %parallel_loop3A_252 = arith.addi %parallel_loop3A_250, %parallel_loop3A_251 : i32
      %parallel_loop3A_253 = arith.constant 0 : i32
      %parallel_loop3A_254 = tpu.memref_slice %arg7[%parallel_loop3A_252, %parallel_loop3A_253] : memref<128x56xf32, #tpu.memory_space<vmem>> -> memref<1x56xf32, #tpu.memory_space<vmem>>
      %parallel_loop3A_255 = arith.constant 0 : i32
      %parallel_loop3A_256 = tpu.memref_slice %arg3[%parallel_loop3A_248, %parallel_loop3A_255] : memref<1000000x56xf32, #tpu.memory_space<hbm>> -> memref<1x56xf32, #tpu.memory_space<hbm>>
      %parallel_loop3A_257 = arith.constant 0 : i32
      %parallel_loop3A_258 = tpu.memref_slice %arg7[%parallel_loop3A_252, %parallel_loop3A_257] : memref<128x56xf32, #tpu.memory_space<vmem>> -> memref<1x56xf32, #tpu.memory_space<vmem>>
      %parallel_loop3A_259 = arith.constant 0 : i32
      %parallel_loop3A_260 = tpu.memref_slice %arg3[%parallel_loop3A_248, %parallel_loop3A_259] : memref<1000000x56xf32, #tpu.memory_space<hbm>> -> memref<1x56xf32, #tpu.memory_space<hbm>>
      tpu.enqueue_dma source(%parallel_loop3A_260 : memref<1x56xf32, #tpu.memory_space<hbm>>) target(%parallel_loop3A_258 : memref<1x56xf32, #tpu.memory_space<vmem>>) target_semaphore(%arg13 : memref<!tpu.dma_semaphore, #tpu.memory_space<semaphore_mem>>)
      %parallel_loop3A_261 = vector.extract_strided_slice %parallel_loop3A_78 {offsets = [13], sizes = [1], strides = [1]} : vector<16xi32> to vector<1xi32>
      %parallel_loop3A_262 = vector.extract %parallel_loop3A_261[0] : i32 from vector<1xi32>
      %parallel_loop3A_263 = arith.constant 4 : i32
      %parallel_loop3A_264 = arith.muli %parallel_loop3A_74, %parallel_loop3A_263 : i32
      %parallel_loop3A_265 = arith.constant 3 : i32
      %parallel_loop3A_266 = arith.addi %parallel_loop3A_264, %parallel_loop3A_265 : i32
      %parallel_loop3A_267 = arith.constant 0 : i32
      %parallel_loop3A_268 = tpu.memref_slice %arg8[%parallel_loop3A_266, %parallel_loop3A_267] : memref<128x56xf32, #tpu.memory_space<vmem>> -> memref<1x56xf32, #tpu.memory_space<vmem>>
      %parallel_loop3A_269 = arith.constant 0 : i32
      %parallel_loop3A_270 = tpu.memref_slice %arg3[%parallel_loop3A_262, %parallel_loop3A_269] : memref<1000000x56xf32, #tpu.memory_space<hbm>> -> memref<1x56xf32, #tpu.memory_space<hbm>>
      %parallel_loop3A_271 = arith.constant 0 : i32
      %parallel_loop3A_272 = tpu.memref_slice %arg8[%parallel_loop3A_266, %parallel_loop3A_271] : memref<128x56xf32, #tpu.memory_space<vmem>> -> memref<1x56xf32, #tpu.memory_space<vmem>>
      %parallel_loop3A_273 = arith.constant 0 : i32
      %parallel_loop3A_274 = tpu.memref_slice %arg3[%parallel_loop3A_262, %parallel_loop3A_273] : memref<1000000x56xf32, #tpu.memory_space<hbm>> -> memref<1x56xf32, #tpu.memory_space<hbm>>
      tpu.enqueue_dma source(%parallel_loop3A_274 : memref<1x56xf32, #tpu.memory_space<hbm>>) target(%parallel_loop3A_272 : memref<1x56xf32, #tpu.memory_space<vmem>>) target_semaphore(%arg14 : memref<!tpu.dma_semaphore, #tpu.memory_space<semaphore_mem>>)
      %parallel_loop3A_275 = vector.extract_strided_slice %parallel_loop3A_78 {offsets = [14], sizes = [1], strides = [1]} : vector<16xi32> to vector<1xi32>
      %parallel_loop3A_276 = vector.extract %parallel_loop3A_275[0] : i32 from vector<1xi32>
      %parallel_loop3A_277 = arith.constant 4 : i32
      %parallel_loop3A_278 = arith.muli %parallel_loop3A_74, %parallel_loop3A_277 : i32
      %parallel_loop3A_279 = arith.constant 3 : i32
      %parallel_loop3A_280 = arith.addi %parallel_loop3A_278, %parallel_loop3A_279 : i32
      %parallel_loop3A_281 = arith.constant 0 : i32
      %parallel_loop3A_282 = tpu.memref_slice %arg9[%parallel_loop3A_280, %parallel_loop3A_281] : memref<128x56xf32, #tpu.memory_space<vmem>> -> memref<1x56xf32, #tpu.memory_space<vmem>>
      %parallel_loop3A_283 = arith.constant 0 : i32
      %parallel_loop3A_284 = tpu.memref_slice %arg3[%parallel_loop3A_276, %parallel_loop3A_283] : memref<1000000x56xf32, #tpu.memory_space<hbm>> -> memref<1x56xf32, #tpu.memory_space<hbm>>
      %parallel_loop3A_285 = arith.constant 0 : i32
      %parallel_loop3A_286 = tpu.memref_slice %arg9[%parallel_loop3A_280, %parallel_loop3A_285] : memref<128x56xf32, #tpu.memory_space<vmem>> -> memref<1x56xf32, #tpu.memory_space<vmem>>
      %parallel_loop3A_287 = arith.constant 0 : i32
      %parallel_loop3A_288 = tpu.memref_slice %arg3[%parallel_loop3A_276, %parallel_loop3A_287] : memref<1000000x56xf32, #tpu.memory_space<hbm>> -> memref<1x56xf32, #tpu.memory_space<hbm>>
      tpu.enqueue_dma source(%parallel_loop3A_288 : memref<1x56xf32, #tpu.memory_space<hbm>>) target(%parallel_loop3A_286 : memref<1x56xf32, #tpu.memory_space<vmem>>) target_semaphore(%arg15 : memref<!tpu.dma_semaphore, #tpu.memory_space<semaphore_mem>>)
      %parallel_loop3A_289 = vector.extract_strided_slice %parallel_loop3A_78 {offsets = [15], sizes = [1], strides = [1]} : vector<16xi32> to vector<1xi32>
      %parallel_loop3A_290 = vector.extract %parallel_loop3A_289[0] : i32 from vector<1xi32>
      %parallel_loop3A_291 = arith.constant 4 : i32
      %parallel_loop3A_292 = arith.muli %parallel_loop3A_74, %parallel_loop3A_291 : i32
      %parallel_loop3A_293 = arith.constant 3 : i32
      %parallel_loop3A_294 = arith.addi %parallel_loop3A_292, %parallel_loop3A_293 : i32
      %parallel_loop3A_295 = arith.constant 0 : i32
      %parallel_loop3A_296 = tpu.memref_slice %arg10[%parallel_loop3A_294, %parallel_loop3A_295] : memref<128x56xf32, #tpu.memory_space<vmem>> -> memref<1x56xf32, #tpu.memory_space<vmem>>
      %parallel_loop3A_297 = arith.constant 0 : i32
      %parallel_loop3A_298 = tpu.memref_slice %arg3[%parallel_loop3A_290, %parallel_loop3A_297] : memref<1000000x56xf32, #tpu.memory_space<hbm>> -> memref<1x56xf32, #tpu.memory_space<hbm>>
      %parallel_loop3A_299 = arith.constant 0 : i32
      %parallel_loop3A_300 = tpu.memref_slice %arg10[%parallel_loop3A_294, %parallel_loop3A_299] : memref<128x56xf32, #tpu.memory_space<vmem>> -> memref<1x56xf32, #tpu.memory_space<vmem>>
      %parallel_loop3A_301 = arith.constant 0 : i32
      %parallel_loop3A_302 = tpu.memref_slice %arg3[%parallel_loop3A_290, %parallel_loop3A_301] : memref<1000000x56xf32, #tpu.memory_space<hbm>> -> memref<1x56xf32, #tpu.memory_space<hbm>>
      tpu.enqueue_dma source(%parallel_loop3A_302 : memref<1x56xf32, #tpu.memory_space<hbm>>) target(%parallel_loop3A_300 : memref<1x56xf32, #tpu.memory_space<vmem>>) target_semaphore(%arg16 : memref<!tpu.dma_semaphore, #tpu.memory_space<semaphore_mem>>)
    } {sc.loop_unroll_factor = 1 : i64, sc.parallel_access}
    "tpu.region"() ({
      %run_scoped3A = tpu.sem_alloc : memref<!tpu.dma_semaphore, #tpu.memory_space<semaphore_mem>>
      %dma_start3A = arith.constant 0 : i32
      %dma_start3A_74 = tpu.memref_slice %arg12[%dma_start3A] : memref<16xf32, #tpu.memory_space<vmem>> -> memref<8xf32, #tpu.memory_space<vmem>>
      %dma_start3A_75 = arith.constant 0 : i32
      %dma_start3A_76 = tpu.memref_slice %arg12[%dma_start3A_75] : memref<16xf32, #tpu.memory_space<vmem>> -> memref<8xf32, #tpu.memory_space<vmem>>
      tpu.enqueue_dma source(%arg4 : memref<8xf32, #tpu.memory_space<hbm>>) target(%dma_start3A_76 : memref<8xf32, #tpu.memory_space<vmem>>) target_semaphore(%run_scoped3A : memref<!tpu.dma_semaphore, #tpu.memory_space<semaphore_mem>>)
      %dma_wait3A_77 = arith.constant 0 : i32
      %dma_wait3A_78 = tpu.memref_slice %arg12[%dma_wait3A_77] : memref<16xf32, #tpu.memory_space<vmem>> -> memref<8xf32, #tpu.memory_space<vmem>>
      %dma_wait3A_79 = arith.constant 0 : i32
      %dma_wait3A_80 = tpu.memref_slice %arg12[%dma_wait3A_79] : memref<16xf32, #tpu.memory_space<vmem>> -> memref<8xf32, #tpu.memory_space<vmem>>
      tpu.wait_dma2 semaphore(%run_scoped3A : memref<!tpu.dma_semaphore, #tpu.memory_space<semaphore_mem>>) src(%arg4 : memref<8xf32, #tpu.memory_space<hbm>>) dst(%dma_wait3A_80 : memref<8xf32, #tpu.memory_space<vmem>>)
      tpu.yield
    }) : () -> ()
    "tpu.region"() ({
      %run_scoped3A = tpu.sem_alloc : memref<!tpu.dma_semaphore, #tpu.memory_space<semaphore_mem>>
      %dma_start3A = arith.constant 8 : i32
      %dma_start3A_74 = tpu.memref_slice %arg12[%dma_start3A] : memref<16xf32, #tpu.memory_space<vmem>> -> memref<8xf32, #tpu.memory_space<vmem>>
      %dma_start3A_75 = arith.constant 8 : i32
      %dma_start3A_76 = tpu.memref_slice %arg12[%dma_start3A_75] : memref<16xf32, #tpu.memory_space<vmem>> -> memref<8xf32, #tpu.memory_space<vmem>>
      tpu.enqueue_dma source(%arg4 : memref<8xf32, #tpu.memory_space<hbm>>) target(%dma_start3A_76 : memref<8xf32, #tpu.memory_space<vmem>>) target_semaphore(%run_scoped3A : memref<!tpu.dma_semaphore, #tpu.memory_space<semaphore_mem>>)
      %dma_wait3A_77 = arith.constant 8 : i32
      %dma_wait3A_78 = tpu.memref_slice %arg12[%dma_wait3A_77] : memref<16xf32, #tpu.memory_space<vmem>> -> memref<8xf32, #tpu.memory_space<vmem>>
      %dma_wait3A_79 = arith.constant 8 : i32
      %dma_wait3A_80 = tpu.memref_slice %arg12[%dma_wait3A_79] : memref<16xf32, #tpu.memory_space<vmem>> -> memref<8xf32, #tpu.memory_space<vmem>>
      tpu.wait_dma2 semaphore(%run_scoped3A : memref<!tpu.dma_semaphore, #tpu.memory_space<semaphore_mem>>) src(%arg4 : memref<8xf32, #tpu.memory_space<hbm>>) dst(%dma_wait3A_80 : memref<8xf32, #tpu.memory_space<vmem>>)
      tpu.yield
    }) : () -> ()
    %get3A = arith.constant 0 : index
    %get3A_5 = tpu.vector_load %arg12[%get3A] {strides = array<i32>} : memref<16xf32, #tpu.memory_space<vmem>>, vector<16xf32>,
    %iota3A = tpu.iota {dimensions = array<i32: 0>} : vector<16xi32>
    %shift_right_logical3A = arith.constant 3 : i32
    %shift_right_logical3A_6 = vector.broadcast %shift_right_logical3A : i32 to vector<16xi32>
    %shift_right_logical3A_7 = arith.shrui %iota3A, %shift_right_logical3A_6 : vector<16xi32>
    %and3A = arith.constant 7 : i32
    %and3A_8 = vector.broadcast %and3A : i32 to vector<16xi32>
    %and3A_9 = arith.andi %iota3A, %and3A_8 : vector<16xi32>
    %broadcast_in_dim3A = arith.constant 56 : i32
    %broadcast_in_dim3A_10 = vector.broadcast %broadcast_in_dim3A : i32 to vector<16xi32>
    %add3A_11 = arith.addi %and3A_9, %broadcast_in_dim3A_10 : vector<16xi32>
    %broadcast_in_dim3A_12 = arith.constant 40 : i32
    %broadcast_in_dim3A_13 = vector.broadcast %broadcast_in_dim3A_12 : i32 to vector<16xi32>
    %add3A_14 = arith.addi %iota3A, %broadcast_in_dim3A_13 : vector<16xi32>
    %ge3A = arith.constant 8 : i32
    %ge3A_15 = vector.broadcast %ge3A : i32 to vector<16xi32>
    %ge3A_16 = arith.cmpi sge, %iota3A, %ge3A_15 : vector<16xi32>
    %dma_wait3A = arith.constant 0 : i32
    %dma_wait3A_17 = arith.constant 0 : i32
    %dma_wait3A_18 = tpu.memref_slice %arg3[%dma_wait3A, %dma_wait3A_17] : memref<1000000x56xf32, #tpu.memory_space<hbm>> -> memref<128x56xf32, #tpu.memory_space<hbm>>
    %dma_wait3A_19 = arith.constant 0 : i32
    %dma_wait3A_20 = arith.constant 0 : i32
    %dma_wait3A_21 = tpu.memref_slice %arg3[%dma_wait3A_19, %dma_wait3A_20] : memref<1000000x56xf32, #tpu.memory_space<hbm>> -> memref<128x56xf32, #tpu.memory_space<hbm>>
    tpu.wait_dma2 semaphore(%arg13 : memref<!tpu.dma_semaphore, #tpu.memory_space<semaphore_mem>>) src(%dma_wait3A_21 : memref<128x56xf32, #tpu.memory_space<hbm>>) dst(%arg7 : memref<128x56xf32, #tpu.memory_space<vmem>>)
    %dma_wait3A_22 = arith.constant 0 : i32
    %dma_wait3A_23 = arith.constant 0 : i32
    %dma_wait3A_24 = tpu.memref_slice %arg3[%dma_wait3A_22, %dma_wait3A_23] : memref<1000000x56xf32, #tpu.memory_space<hbm>> -> memref<128x56xf32, #tpu.memory_space<hbm>>
    %dma_wait3A_25 = arith.constant 0 : i32
    %dma_wait3A_26 = arith.constant 0 : i32
    %dma_wait3A_27 = tpu.memref_slice %arg3[%dma_wait3A_25, %dma_wait3A_26] : memref<1000000x56xf32, #tpu.memory_space<hbm>> -> memref<128x56xf32, #tpu.memory_space<hbm>>
    tpu.wait_dma2 semaphore(%arg14 : memref<!tpu.dma_semaphore, #tpu.memory_space<semaphore_mem>>) src(%dma_wait3A_27 : memref<128x56xf32, #tpu.memory_space<hbm>>) dst(%arg8 : memref<128x56xf32, #tpu.memory_space<vmem>>)
    %dma_wait3A_28 = arith.constant 0 : i32
    %dma_wait3A_29 = arith.constant 0 : i32
    %dma_wait3A_30 = tpu.memref_slice %arg3[%dma_wait3A_28, %dma_wait3A_29] : memref<1000000x56xf32, #tpu.memory_space<hbm>> -> memref<128x56xf32, #tpu.memory_space<hbm>>
    %dma_wait3A_31 = arith.constant 0 : i32
    %dma_wait3A_32 = arith.constant 0 : i32
    %dma_wait3A_33 = tpu.memref_slice %arg3[%dma_wait3A_31, %dma_wait3A_32] : memref<1000000x56xf32, #tpu.memory_space<hbm>> -> memref<128x56xf32, #tpu.memory_space<hbm>>
    tpu.wait_dma2 semaphore(%arg15 : memref<!tpu.dma_semaphore, #tpu.memory_space<semaphore_mem>>) src(%dma_wait3A_33 : memref<128x56xf32, #tpu.memory_space<hbm>>) dst(%arg9 : memref<128x56xf32, #tpu.memory_space<vmem>>)
    %dma_wait3A_34 = arith.constant 0 : i32
    %dma_wait3A_35 = arith.constant 0 : i32
    %dma_wait3A_36 = tpu.memref_slice %arg3[%dma_wait3A_34, %dma_wait3A_35] : memref<1000000x56xf32, #tpu.memory_space<hbm>> -> memref<128x56xf32, #tpu.memory_space<hbm>>
    %dma_wait3A_37 = arith.constant 0 : i32
    %dma_wait3A_38 = arith.constant 0 : i32
    %dma_wait3A_39 = tpu.memref_slice %arg3[%dma_wait3A_37, %dma_wait3A_38] : memref<1000000x56xf32, #tpu.memory_space<hbm>> -> memref<128x56xf32, #tpu.memory_space<hbm>>
    tpu.wait_dma2 semaphore(%arg16 : memref<!tpu.dma_semaphore, #tpu.memory_space<semaphore_mem>>) src(%dma_wait3A_39 : memref<128x56xf32, #tpu.memory_space<hbm>>) dst(%arg10 : memref<128x56xf32, #tpu.memory_space<vmem>>)
    %parallel_loop3A_40 = arith.constant 0 : i32
    %parallel_loop3A_41 = arith.constant 128 : i32
    %parallel_loop3A_42 = arith.constant 1 : i32
    scf.for %parallel_loop3A_74 = %parallel_loop3A_40 to %parallel_loop3A_41 step %parallel_loop3A_42  : i32 {
      %parallel_loop3A_75 = arith.constant 2 : i32
      %parallel_loop3A_76 = arith.muli %parallel_loop3A_74, %parallel_loop3A_75 : i32
      %parallel_loop3A_77 = vector.broadcast %parallel_loop3A_76 : i32 to vector<16xi32>
      %parallel_loop3A_78 = arith.addi %parallel_loop3A_77, %shift_right_logical3A_7 : vector<16xi32>
      tpu.vector_store_idx %arg11[%parallel_loop3A_78, %add3A_11], %get3A_5 : memref<256x64xf32, #tpu.memory_space<vmem>>[vector<16xi32>, vector<16xi32>], vector<16xf32>,
    } {sc.loop_unroll_factor = 1 : i64, sc.parallel_access}
    %parallel_loop3A_43 = arith.constant 0 : i32
    %parallel_loop3A_44 = arith.constant 64 : i32
    %parallel_loop3A_45 = arith.constant 1 : i32
    scf.for %parallel_loop3A_74 = %parallel_loop3A_43 to %parallel_loop3A_44 step %parallel_loop3A_45  : i32 {
      %parallel_loop3A_75 = arith.constant 4 : i32
      %parallel_loop3A_76 = arith.muli %parallel_loop3A_74, %parallel_loop3A_75 : i32
      %parallel_loop3A_77 = arith.constant 0 : i32
      %parallel_loop3A_78 = arith.addi %parallel_loop3A_76, %parallel_loop3A_77 : i32
      %parallel_loop3A_79 = arith.constant 0 : i32
      %parallel_loop3A_80 = arith.subi %parallel_loop3A_78, %parallel_loop3A_79 : i32
      %parallel_loop3A_81 = arith.index_cast %parallel_loop3A_74 : i32 to index
      %parallel_loop3A_82 = arith.constant 0 : index
      %parallel_loop3A_83 = tpu.vector_load %arg7[%parallel_loop3A_81, %parallel_loop3A_82] {strides = array<i32>} : memref<128x56xf32, #tpu.memory_space<vmem>>, vector<16xf32>,
      %parallel_loop3A_84 = arith.index_cast %parallel_loop3A_80 : i32 to index
      %parallel_loop3A_85 = arith.constant 0 : index
      %parallel_loop3A_86 = tpu.vector_load %arg11[%parallel_loop3A_84, %parallel_loop3A_85] {strides = array<i32>} : memref<256x64xf32, #tpu.memory_space<vmem>>, vector<16xf32>,
      tpu.vector_store %arg11[%parallel_loop3A_84, %parallel_loop3A_85], %parallel_loop3A_83 {strides = array<i32>} : memref<256x64xf32, #tpu.memory_space<vmem>>, vector<16xf32>,
      %parallel_loop3A_87 = arith.index_cast %parallel_loop3A_74 : i32 to index
      %parallel_loop3A_88 = arith.constant 16 : index
      %parallel_loop3A_89 = tpu.vector_load %arg7[%parallel_loop3A_87, %parallel_loop3A_88] {strides = array<i32>} : memref<128x56xf32, #tpu.memory_space<vmem>>, vector<16xf32>,
      %parallel_loop3A_90 = arith.index_cast %parallel_loop3A_80 : i32 to index
      %parallel_loop3A_91 = arith.constant 16 : index
      %parallel_loop3A_92 = tpu.vector_load %arg11[%parallel_loop3A_90, %parallel_loop3A_91] {strides = array<i32>} : memref<256x64xf32, #tpu.memory_space<vmem>>, vector<16xf32>,
      tpu.vector_store %arg11[%parallel_loop3A_90, %parallel_loop3A_91], %parallel_loop3A_89 {strides = array<i32>} : memref<256x64xf32, #tpu.memory_space<vmem>>, vector<16xf32>,
      %parallel_loop3A_93 = arith.index_cast %parallel_loop3A_74 : i32 to index
      %parallel_loop3A_94 = arith.constant 32 : index
      %parallel_loop3A_95 = tpu.vector_load %arg7[%parallel_loop3A_93, %parallel_loop3A_94] {strides = array<i32>} : memref<128x56xf32, #tpu.memory_space<vmem>>, vector<16xf32>,
      %parallel_loop3A_96 = arith.index_cast %parallel_loop3A_80 : i32 to index
      %parallel_loop3A_97 = arith.constant 32 : index
      %parallel_loop3A_98 = tpu.vector_load %arg11[%parallel_loop3A_96, %parallel_loop3A_97] {strides = array<i32>} : memref<256x64xf32, #tpu.memory_space<vmem>>, vector<16xf32>,
      tpu.vector_store %arg11[%parallel_loop3A_96, %parallel_loop3A_97], %parallel_loop3A_95 {strides = array<i32>} : memref<256x64xf32, #tpu.memory_space<vmem>>, vector<16xf32>,
      %parallel_loop3A_99 = arith.index_cast %parallel_loop3A_74 : i32 to index
      %parallel_loop3A_100 = arith.constant 40 : index
      %parallel_loop3A_101 = tpu.vector_load %arg7[%parallel_loop3A_99, %parallel_loop3A_100] {strides = array<i32>} : memref<128x56xf32, #tpu.memory_space<vmem>>, vector<16xf32>,
      %parallel_loop3A_102 = vector.broadcast %parallel_loop3A_80 : i32 to vector<16xi32>
      tpu.vector_store_idx %arg11[%parallel_loop3A_102, %add3A_14], %parallel_loop3A_101 masked %ge3A_16 : memref<256x64xf32, #tpu.memory_space<vmem>>[vector<16xi32>, vector<16xi32>], vector<16xf32>, vector<16xi1>
    } {sc.loop_unroll_factor = 1 : i64, sc.parallel_access}
    %parallel_loop3A_46 = arith.constant 0 : i32
    %parallel_loop3A_47 = arith.constant 64 : i32
    %parallel_loop3A_48 = arith.constant 1 : i32
    scf.for %parallel_loop3A_74 = %parallel_loop3A_46 to %parallel_loop3A_47 step %parallel_loop3A_48  : i32 {
      %parallel_loop3A_75 = arith.constant 4 : i32
      %parallel_loop3A_76 = arith.muli %parallel_loop3A_74, %parallel_loop3A_75 : i32
      %parallel_loop3A_77 = arith.constant 1 : i32
      %parallel_loop3A_78 = arith.addi %parallel_loop3A_76, %parallel_loop3A_77 : i32
      %parallel_loop3A_79 = arith.constant 0 : i32
      %parallel_loop3A_80 = arith.subi %parallel_loop3A_78, %parallel_loop3A_79 : i32
      %parallel_loop3A_81 = arith.index_cast %parallel_loop3A_74 : i32 to index
      %parallel_loop3A_82 = arith.constant 0 : index
      %parallel_loop3A_83 = tpu.vector_load %arg8[%parallel_loop3A_81, %parallel_loop3A_82] {strides = array<i32>} : memref<128x56xf32, #tpu.memory_space<vmem>>, vector<16xf32>,
      %parallel_loop3A_84 = arith.index_cast %parallel_loop3A_80 : i32 to index
      %parallel_loop3A_85 = arith.constant 0 : index
      %parallel_loop3A_86 = tpu.vector_load %arg11[%parallel_loop3A_84, %parallel_loop3A_85] {strides = array<i32>} : memref<256x64xf32, #tpu.memory_space<vmem>>, vector<16xf32>,
      tpu.vector_store %arg11[%parallel_loop3A_84, %parallel_loop3A_85], %parallel_loop3A_83 {strides = array<i32>} : memref<256x64xf32, #tpu.memory_space<vmem>>, vector<16xf32>,
      %parallel_loop3A_87 = arith.index_cast %parallel_loop3A_74 : i32 to index
      %parallel_loop3A_88 = arith.constant 16 : index
      %parallel_loop3A_89 = tpu.vector_load %arg8[%parallel_loop3A_87, %parallel_loop3A_88] {strides = array<i32>} : memref<128x56xf32, #tpu.memory_space<vmem>>, vector<16xf32>,
      %parallel_loop3A_90 = arith.index_cast %parallel_loop3A_80 : i32 to index
      %parallel_loop3A_91 = arith.constant 16 : index
      %parallel_loop3A_92 = tpu.vector_load %arg11[%parallel_loop3A_90, %parallel_loop3A_91] {strides = array<i32>} : memref<256x64xf32, #tpu.memory_space<vmem>>, vector<16xf32>,
      tpu.vector_store %arg11[%parallel_loop3A_90, %parallel_loop3A_91], %parallel_loop3A_89 {strides = array<i32>} : memref<256x64xf32, #tpu.memory_space<vmem>>, vector<16xf32>,
      %parallel_loop3A_93 = arith.index_cast %parallel_loop3A_74 : i32 to index
      %parallel_loop3A_94 = arith.constant 32 : index
      %parallel_loop3A_95 = tpu.vector_load %arg8[%parallel_loop3A_93, %parallel_loop3A_94] {strides = array<i32>} : memref<128x56xf32, #tpu.memory_space<vmem>>, vector<16xf32>,
      %parallel_loop3A_96 = arith.index_cast %parallel_loop3A_80 : i32 to index
      %parallel_loop3A_97 = arith.constant 32 : index
      %parallel_loop3A_98 = tpu.vector_load %arg11[%parallel_loop3A_96, %parallel_loop3A_97] {strides = array<i32>} : memref<256x64xf32, #tpu.memory_space<vmem>>, vector<16xf32>,
      tpu.vector_store %arg11[%parallel_loop3A_96, %parallel_loop3A_97], %parallel_loop3A_95 {strides = array<i32>} : memref<256x64xf32, #tpu.memory_space<vmem>>, vector<16xf32>,
      %parallel_loop3A_99 = arith.index_cast %parallel_loop3A_74 : i32 to index
      %parallel_loop3A_100 = arith.constant 40 : index
      %parallel_loop3A_101 = tpu.vector_load %arg8[%parallel_loop3A_99, %parallel_loop3A_100] {strides = array<i32>} : memref<128x56xf32, #tpu.memory_space<vmem>>, vector<16xf32>,
      %parallel_loop3A_102 = vector.broadcast %parallel_loop3A_80 : i32 to vector<16xi32>
      tpu.vector_store_idx %arg11[%parallel_loop3A_102, %add3A_14], %parallel_loop3A_101 masked %ge3A_16 : memref<256x64xf32, #tpu.memory_space<vmem>>[vector<16xi32>, vector<16xi32>], vector<16xf32>, vector<16xi1>
    } {sc.loop_unroll_factor = 1 : i64, sc.parallel_access}
    %parallel_loop3A_49 = arith.constant 0 : i32
    %parallel_loop3A_50 = arith.constant 64 : i32
    %parallel_loop3A_51 = arith.constant 1 : i32
    scf.for %parallel_loop3A_74 = %parallel_loop3A_49 to %parallel_loop3A_50 step %parallel_loop3A_51  : i32 {
      %parallel_loop3A_75 = arith.constant 4 : i32
      %parallel_loop3A_76 = arith.muli %parallel_loop3A_74, %parallel_loop3A_75 : i32
      %parallel_loop3A_77 = arith.constant 2 : i32
      %parallel_loop3A_78 = arith.addi %parallel_loop3A_76, %parallel_loop3A_77 : i32
      %parallel_loop3A_79 = arith.constant 0 : i32
      %parallel_loop3A_80 = arith.subi %parallel_loop3A_78, %parallel_loop3A_79 : i32
      %parallel_loop3A_81 = arith.index_cast %parallel_loop3A_74 : i32 to index
      %parallel_loop3A_82 = arith.constant 0 : index
      %parallel_loop3A_83 = tpu.vector_load %arg9[%parallel_loop3A_81, %parallel_loop3A_82] {strides = array<i32>} : memref<128x56xf32, #tpu.memory_space<vmem>>, vector<16xf32>,
      %parallel_loop3A_84 = arith.index_cast %parallel_loop3A_80 : i32 to index
      %parallel_loop3A_85 = arith.constant 0 : index
      %parallel_loop3A_86 = tpu.vector_load %arg11[%parallel_loop3A_84, %parallel_loop3A_85] {strides = array<i32>} : memref<256x64xf32, #tpu.memory_space<vmem>>, vector<16xf32>,
      tpu.vector_store %arg11[%parallel_loop3A_84, %parallel_loop3A_85], %parallel_loop3A_83 {strides = array<i32>} : memref<256x64xf32, #tpu.memory_space<vmem>>, vector<16xf32>,
      %parallel_loop3A_87 = arith.index_cast %parallel_loop3A_74 : i32 to index
      %parallel_loop3A_88 = arith.constant 16 : index
      %parallel_loop3A_89 = tpu.vector_load %arg9[%parallel_loop3A_87, %parallel_loop3A_88] {strides = array<i32>} : memref<128x56xf32, #tpu.memory_space<vmem>>, vector<16xf32>,
      %parallel_loop3A_90 = arith.index_cast %parallel_loop3A_80 : i32 to index
      %parallel_loop3A_91 = arith.constant 16 : index
      %parallel_loop3A_92 = tpu.vector_load %arg11[%parallel_loop3A_90, %parallel_loop3A_91] {strides = array<i32>} : memref<256x64xf32, #tpu.memory_space<vmem>>, vector<16xf32>,
      tpu.vector_store %arg11[%parallel_loop3A_90, %parallel_loop3A_91], %parallel_loop3A_89 {strides = array<i32>} : memref<256x64xf32, #tpu.memory_space<vmem>>, vector<16xf32>,
      %parallel_loop3A_93 = arith.index_cast %parallel_loop3A_74 : i32 to index
      %parallel_loop3A_94 = arith.constant 32 : index
      %parallel_loop3A_95 = tpu.vector_load %arg9[%parallel_loop3A_93, %parallel_loop3A_94] {strides = array<i32>} : memref<128x56xf32, #tpu.memory_space<vmem>>, vector<16xf32>,
      %parallel_loop3A_96 = arith.index_cast %parallel_loop3A_80 : i32 to index
      %parallel_loop3A_97 = arith.constant 32 : index
      %parallel_loop3A_98 = tpu.vector_load %arg11[%parallel_loop3A_96, %parallel_loop3A_97] {strides = array<i32>} : memref<256x64xf32, #tpu.memory_space<vmem>>, vector<16xf32>,
      tpu.vector_store %arg11[%parallel_loop3A_96, %parallel_loop3A_97], %parallel_loop3A_95 {strides = array<i32>} : memref<256x64xf32, #tpu.memory_space<vmem>>, vector<16xf32>,
      %parallel_loop3A_99 = arith.index_cast %parallel_loop3A_74 : i32 to index
      %parallel_loop3A_100 = arith.constant 40 : index
      %parallel_loop3A_101 = tpu.vector_load %arg9[%parallel_loop3A_99, %parallel_loop3A_100] {strides = array<i32>} : memref<128x56xf32, #tpu.memory_space<vmem>>, vector<16xf32>,
      %parallel_loop3A_102 = vector.broadcast %parallel_loop3A_80 : i32 to vector<16xi32>
      tpu.vector_store_idx %arg11[%parallel_loop3A_102, %add3A_14], %parallel_loop3A_101 masked %ge3A_16 : memref<256x64xf32, #tpu.memory_space<vmem>>[vector<16xi32>, vector<16xi32>], vector<16xf32>, vector<16xi1>
    } {sc.loop_unroll_factor = 1 : i64, sc.parallel_access}
    %parallel_loop3A_52 = arith.constant 0 : i32
    %parallel_loop3A_53 = arith.constant 64 : i32
    %parallel_loop3A_54 = arith.constant 1 : i32
    scf.for %parallel_loop3A_74 = %parallel_loop3A_52 to %parallel_loop3A_53 step %parallel_loop3A_54  : i32 {
      %parallel_loop3A_75 = arith.constant 4 : i32
      %parallel_loop3A_76 = arith.muli %parallel_loop3A_74, %parallel_loop3A_75 : i32
      %parallel_loop3A_77 = arith.constant 3 : i32
      %parallel_loop3A_78 = arith.addi %parallel_loop3A_76, %parallel_loop3A_77 : i32
      %parallel_loop3A_79 = arith.constant 0 : i32
      %parallel_loop3A_80 = arith.subi %parallel_loop3A_78, %parallel_loop3A_79 : i32
      %parallel_loop3A_81 = arith.index_cast %parallel_loop3A_74 : i32 to index
      %parallel_loop3A_82 = arith.constant 0 : index
      %parallel_loop3A_83 = tpu.vector_load %arg10[%parallel_loop3A_81, %parallel_loop3A_82] {strides = array<i32>} : memref<128x56xf32, #tpu.memory_space<vmem>>, vector<16xf32>,
      %parallel_loop3A_84 = arith.index_cast %parallel_loop3A_80 : i32 to index
      %parallel_loop3A_85 = arith.constant 0 : index
      %parallel_loop3A_86 = tpu.vector_load %arg11[%parallel_loop3A_84, %parallel_loop3A_85] {strides = array<i32>} : memref<256x64xf32, #tpu.memory_space<vmem>>, vector<16xf32>,
      tpu.vector_store %arg11[%parallel_loop3A_84, %parallel_loop3A_85], %parallel_loop3A_83 {strides = array<i32>} : memref<256x64xf32, #tpu.memory_space<vmem>>, vector<16xf32>,
      %parallel_loop3A_87 = arith.index_cast %parallel_loop3A_74 : i32 to index
      %parallel_loop3A_88 = arith.constant 16 : index
      %parallel_loop3A_89 = tpu.vector_load %arg10[%parallel_loop3A_87, %parallel_loop3A_88] {strides = array<i32>} : memref<128x56xf32, #tpu.memory_space<vmem>>, vector<16xf32>,
      %parallel_loop3A_90 = arith.index_cast %parallel_loop3A_80 : i32 to index
      %parallel_loop3A_91 = arith.constant 16 : index
      %parallel_loop3A_92 = tpu.vector_load %arg11[%parallel_loop3A_90, %parallel_loop3A_91] {strides = array<i32>} : memref<256x64xf32, #tpu.memory_space<vmem>>, vector<16xf32>,
      tpu.vector_store %arg11[%parallel_loop3A_90, %parallel_loop3A_91], %parallel_loop3A_89 {strides = array<i32>} : memref<256x64xf32, #tpu.memory_space<vmem>>, vector<16xf32>,
      %parallel_loop3A_93 = arith.index_cast %parallel_loop3A_74 : i32 to index
      %parallel_loop3A_94 = arith.constant 32 : index
      %parallel_loop3A_95 = tpu.vector_load %arg10[%parallel_loop3A_93, %parallel_loop3A_94] {strides = array<i32>} : memref<128x56xf32, #tpu.memory_space<vmem>>, vector<16xf32>,
      %parallel_loop3A_96 = arith.index_cast %parallel_loop3A_80 : i32 to index
      %parallel_loop3A_97 = arith.constant 32 : index
      %parallel_loop3A_98 = tpu.vector_load %arg11[%parallel_loop3A_96, %parallel_loop3A_97] {strides = array<i32>} : memref<256x64xf32, #tpu.memory_space<vmem>>, vector<16xf32>,
      tpu.vector_store %arg11[%parallel_loop3A_96, %parallel_loop3A_97], %parallel_loop3A_95 {strides = array<i32>} : memref<256x64xf32, #tpu.memory_space<vmem>>, vector<16xf32>,
      %parallel_loop3A_99 = arith.index_cast %parallel_loop3A_74 : i32 to index
      %parallel_loop3A_100 = arith.constant 40 : index
      %parallel_loop3A_101 = tpu.vector_load %arg10[%parallel_loop3A_99, %parallel_loop3A_100] {strides = array<i32>} : memref<128x56xf32, #tpu.memory_space<vmem>>, vector<16xf32>,
      %parallel_loop3A_102 = vector.broadcast %parallel_loop3A_80 : i32 to vector<16xi32>
      tpu.vector_store_idx %arg11[%parallel_loop3A_102, %add3A_14], %parallel_loop3A_101 masked %ge3A_16 : memref<256x64xf32, #tpu.memory_space<vmem>>[vector<16xi32>, vector<16xi32>], vector<16xf32>, vector<16xi1>
    } {sc.loop_unroll_factor = 1 : i64, sc.parallel_access}
    %add3A_55 = arith.constant 0 : i32
    %add3A_56 = arith.addi %mul3A_2, %add3A_55 : i32
    "tpu.region"() ({
      %run_scoped3A = tpu.sem_alloc : memref<!tpu.dma_semaphore, #tpu.memory_space<semaphore_mem>>
      %dma_start3A = arith.constant 0 : i32
      %dma_start3A_74 = tpu.memref_slice %arg5[%add3A_56, %dma_start3A] : memref<16384x64xf32, #tpu.memory_space<hbm>> -> memref<256x64xf32, #tpu.memory_space<hbm>>
      %dma_start3A_75 = arith.constant 0 : i32
      %dma_start3A_76 = tpu.memref_slice %arg5[%add3A_56, %dma_start3A_75] : memref<16384x64xf32, #tpu.memory_space<hbm>> -> memref<256x64xf32, #tpu.memory_space<hbm>>
      tpu.enqueue_dma source(%arg11 : memref<256x64xf32, #tpu.memory_space<vmem>>) target(%dma_start3A_76 : memref<256x64xf32, #tpu.memory_space<hbm>>) target_semaphore(%run_scoped3A : memref<!tpu.dma_semaphore, #tpu.memory_space<semaphore_mem>>)
      %dma_wait3A_77 = arith.constant 0 : i32
      %dma_wait3A_78 = tpu.memref_slice %arg5[%add3A_56, %dma_wait3A_77] : memref<16384x64xf32, #tpu.memory_space<hbm>> -> memref<256x64xf32, #tpu.memory_space<hbm>>
      %dma_wait3A_79 = arith.constant 0 : i32
      %dma_wait3A_80 = tpu.memref_slice %arg5[%add3A_56, %dma_wait3A_79] : memref<16384x64xf32, #tpu.memory_space<hbm>> -> memref<256x64xf32, #tpu.memory_space<hbm>>
      tpu.wait_dma2 semaphore(%run_scoped3A : memref<!tpu.dma_semaphore, #tpu.memory_space<semaphore_mem>>) src(%arg11 : memref<256x64xf32, #tpu.memory_space<vmem>>) dst(%dma_wait3A_80 : memref<256x64xf32, #tpu.memory_space<hbm>>)
      tpu.yield
    }) : () -> ()
    %parallel_loop3A_57 = arith.constant 0 : i32
    %parallel_loop3A_58 = arith.constant 128 : i32
    %parallel_loop3A_59 = arith.constant 1 : i32
    scf.for %parallel_loop3A_74 = %parallel_loop3A_57 to %parallel_loop3A_58 step %parallel_loop3A_59  : i32 {
      %parallel_loop3A_75 = arith.constant 2 : i32
      %parallel_loop3A_76 = arith.muli %parallel_loop3A_74, %parallel_loop3A_75 : i32
      %parallel_loop3A_77 = vector.broadcast %parallel_loop3A_76 : i32 to vector<16xi32>
      %parallel_loop3A_78 = arith.addi %parallel_loop3A_77, %shift_right_logical3A_7 : vector<16xi32>
      tpu.vector_store_idx %arg11[%parallel_loop3A_78, %add3A_11], %get3A_5 : memref<256x64xf32, #tpu.memory_space<vmem>>[vector<16xi32>, vector<16xi32>], vector<16xf32>,
    } {sc.loop_unroll_factor = 1 : i64, sc.parallel_access}
    %parallel_loop3A_60 = arith.constant 64 : i32
    %parallel_loop3A_61 = arith.constant 128 : i32
    %parallel_loop3A_62 = arith.constant 1 : i32
    scf.for %parallel_loop3A_74 = %parallel_loop3A_60 to %parallel_loop3A_61 step %parallel_loop3A_62  : i32 {
      %parallel_loop3A_75 = arith.constant 4 : i32
      %parallel_loop3A_76 = arith.muli %parallel_loop3A_74, %parallel_loop3A_75 : i32
      %parallel_loop3A_77 = arith.constant 0 : i32
      %parallel_loop3A_78 = arith.addi %parallel_loop3A_76, %parallel_loop3A_77 : i32
      %parallel_loop3A_79 = arith.constant 256 : i32
      %parallel_loop3A_80 = arith.subi %parallel_loop3A_78, %parallel_loop3A_79 : i32
      %parallel_loop3A_81 = arith.index_cast %parallel_loop3A_74 : i32 to index
      %parallel_loop3A_82 = arith.constant 0 : index
      %parallel_loop3A_83 = tpu.vector_load %arg7[%parallel_loop3A_81, %parallel_loop3A_82] {strides = array<i32>} : memref<128x56xf32, #tpu.memory_space<vmem>>, vector<16xf32>,
      %parallel_loop3A_84 = arith.index_cast %parallel_loop3A_80 : i32 to index
      %parallel_loop3A_85 = arith.constant 0 : index
      %parallel_loop3A_86 = tpu.vector_load %arg11[%parallel_loop3A_84, %parallel_loop3A_85] {strides = array<i32>} : memref<256x64xf32, #tpu.memory_space<vmem>>, vector<16xf32>,
      tpu.vector_store %arg11[%parallel_loop3A_84, %parallel_loop3A_85], %parallel_loop3A_83 {strides = array<i32>} : memref<256x64xf32, #tpu.memory_space<vmem>>, vector<16xf32>,
      %parallel_loop3A_87 = arith.index_cast %parallel_loop3A_74 : i32 to index
      %parallel_loop3A_88 = arith.constant 16 : index
      %parallel_loop3A_89 = tpu.vector_load %arg7[%parallel_loop3A_87, %parallel_loop3A_88] {strides = array<i32>} : memref<128x56xf32, #tpu.memory_space<vmem>>, vector<16xf32>,
      %parallel_loop3A_90 = arith.index_cast %parallel_loop3A_80 : i32 to index
      %parallel_loop3A_91 = arith.constant 16 : index
      %parallel_loop3A_92 = tpu.vector_load %arg11[%parallel_loop3A_90, %parallel_loop3A_91] {strides = array<i32>} : memref<256x64xf32, #tpu.memory_space<vmem>>, vector<16xf32>,
      tpu.vector_store %arg11[%parallel_loop3A_90, %parallel_loop3A_91], %parallel_loop3A_89 {strides = array<i32>} : memref<256x64xf32, #tpu.memory_space<vmem>>, vector<16xf32>,
      %parallel_loop3A_93 = arith.index_cast %parallel_loop3A_74 : i32 to index
      %parallel_loop3A_94 = arith.constant 32 : index
      %parallel_loop3A_95 = tpu.vector_load %arg7[%parallel_loop3A_93, %parallel_loop3A_94] {strides = array<i32>} : memref<128x56xf32, #tpu.memory_space<vmem>>, vector<16xf32>,
      %parallel_loop3A_96 = arith.index_cast %parallel_loop3A_80 : i32 to index
      %parallel_loop3A_97 = arith.constant 32 : index
      %parallel_loop3A_98 = tpu.vector_load %arg11[%parallel_loop3A_96, %parallel_loop3A_97] {strides = array<i32>} : memref<256x64xf32, #tpu.memory_space<vmem>>, vector<16xf32>,
      tpu.vector_store %arg11[%parallel_loop3A_96, %parallel_loop3A_97], %parallel_loop3A_95 {strides = array<i32>} : memref<256x64xf32, #tpu.memory_space<vmem>>, vector<16xf32>,
      %parallel_loop3A_99 = arith.index_cast %parallel_loop3A_74 : i32 to index
      %parallel_loop3A_100 = arith.constant 40 : index
      %parallel_loop3A_101 = tpu.vector_load %arg7[%parallel_loop3A_99, %parallel_loop3A_100] {strides = array<i32>} : memref<128x56xf32, #tpu.memory_space<vmem>>, vector<16xf32>,
      %parallel_loop3A_102 = vector.broadcast %parallel_loop3A_80 : i32 to vector<16xi32>
      tpu.vector_store_idx %arg11[%parallel_loop3A_102, %add3A_14], %parallel_loop3A_101 masked %ge3A_16 : memref<256x64xf32, #tpu.memory_space<vmem>>[vector<16xi32>, vector<16xi32>], vector<16xf32>, vector<16xi1>
    } {sc.loop_unroll_factor = 1 : i64, sc.parallel_access}
    %parallel_loop3A_63 = arith.constant 64 : i32
    %parallel_loop3A_64 = arith.constant 128 : i32
    %parallel_loop3A_65 = arith.constant 1 : i32
    scf.for %parallel_loop3A_74 = %parallel_loop3A_63 to %parallel_loop3A_64 step %parallel_loop3A_65  : i32 {
      %parallel_loop3A_75 = arith.constant 4 : i32
      %parallel_loop3A_76 = arith.muli %parallel_loop3A_74, %parallel_loop3A_75 : i32
      %parallel_loop3A_77 = arith.constant 1 : i32
      %parallel_loop3A_78 = arith.addi %parallel_loop3A_76, %parallel_loop3A_77 : i32
      %parallel_loop3A_79 = arith.constant 256 : i32
      %parallel_loop3A_80 = arith.subi %parallel_loop3A_78, %parallel_loop3A_79 : i32
      %parallel_loop3A_81 = arith.index_cast %parallel_loop3A_74 : i32 to index
      %parallel_loop3A_82 = arith.constant 0 : index
      %parallel_loop3A_83 = tpu.vector_load %arg8[%parallel_loop3A_81, %parallel_loop3A_82] {strides = array<i32>} : memref<128x56xf32, #tpu.memory_space<vmem>>, vector<16xf32>,
      %parallel_loop3A_84 = arith.index_cast %parallel_loop3A_80 : i32 to index
      %parallel_loop3A_85 = arith.constant 0 : index
      %parallel_loop3A_86 = tpu.vector_load %arg11[%parallel_loop3A_84, %parallel_loop3A_85] {strides = array<i32>} : memref<256x64xf32, #tpu.memory_space<vmem>>, vector<16xf32>,
      tpu.vector_store %arg11[%parallel_loop3A_84, %parallel_loop3A_85], %parallel_loop3A_83 {strides = array<i32>} : memref<256x64xf32, #tpu.memory_space<vmem>>, vector<16xf32>,
      %parallel_loop3A_87 = arith.index_cast %parallel_loop3A_74 : i32 to index
      %parallel_loop3A_88 = arith.constant 16 : index
      %parallel_loop3A_89 = tpu.vector_load %arg8[%parallel_loop3A_87, %parallel_loop3A_88] {strides = array<i32>} : memref<128x56xf32, #tpu.memory_space<vmem>>, vector<16xf32>,
      %parallel_loop3A_90 = arith.index_cast %parallel_loop3A_80 : i32 to index
      %parallel_loop3A_91 = arith.constant 16 : index
      %parallel_loop3A_92 = tpu.vector_load %arg11[%parallel_loop3A_90, %parallel_loop3A_91] {strides = array<i32>} : memref<256x64xf32, #tpu.memory_space<vmem>>, vector<16xf32>,
      tpu.vector_store %arg11[%parallel_loop3A_90, %parallel_loop3A_91], %parallel_loop3A_89 {strides = array<i32>} : memref<256x64xf32, #tpu.memory_space<vmem>>, vector<16xf32>,
      %parallel_loop3A_93 = arith.index_cast %parallel_loop3A_74 : i32 to index
      %parallel_loop3A_94 = arith.constant 32 : index
      %parallel_loop3A_95 = tpu.vector_load %arg8[%parallel_loop3A_93, %parallel_loop3A_94] {strides = array<i32>} : memref<128x56xf32, #tpu.memory_space<vmem>>, vector<16xf32>,
      %parallel_loop3A_96 = arith.index_cast %parallel_loop3A_80 : i32 to index
      %parallel_loop3A_97 = arith.constant 32 : index
      %parallel_loop3A_98 = tpu.vector_load %arg11[%parallel_loop3A_96, %parallel_loop3A_97] {strides = array<i32>} : memref<256x64xf32, #tpu.memory_space<vmem>>, vector<16xf32>,
      tpu.vector_store %arg11[%parallel_loop3A_96, %parallel_loop3A_97], %parallel_loop3A_95 {strides = array<i32>} : memref<256x64xf32, #tpu.memory_space<vmem>>, vector<16xf32>,
      %parallel_loop3A_99 = arith.index_cast %parallel_loop3A_74 : i32 to index
      %parallel_loop3A_100 = arith.constant 40 : index
      %parallel_loop3A_101 = tpu.vector_load %arg8[%parallel_loop3A_99, %parallel_loop3A_100] {strides = array<i32>} : memref<128x56xf32, #tpu.memory_space<vmem>>, vector<16xf32>,
      %parallel_loop3A_102 = vector.broadcast %parallel_loop3A_80 : i32 to vector<16xi32>
      tpu.vector_store_idx %arg11[%parallel_loop3A_102, %add3A_14], %parallel_loop3A_101 masked %ge3A_16 : memref<256x64xf32, #tpu.memory_space<vmem>>[vector<16xi32>, vector<16xi32>], vector<16xf32>, vector<16xi1>
    } {sc.loop_unroll_factor = 1 : i64, sc.parallel_access}
    %parallel_loop3A_66 = arith.constant 64 : i32
    %parallel_loop3A_67 = arith.constant 128 : i32
    %parallel_loop3A_68 = arith.constant 1 : i32
    scf.for %parallel_loop3A_74 = %parallel_loop3A_66 to %parallel_loop3A_67 step %parallel_loop3A_68  : i32 {
      %parallel_loop3A_75 = arith.constant 4 : i32
      %parallel_loop3A_76 = arith.muli %parallel_loop3A_74, %parallel_loop3A_75 : i32
      %parallel_loop3A_77 = arith.constant 2 : i32
      %parallel_loop3A_78 = arith.addi %parallel_loop3A_76, %parallel_loop3A_77 : i32
      %parallel_loop3A_79 = arith.constant 256 : i32
      %parallel_loop3A_80 = arith.subi %parallel_loop3A_78, %parallel_loop3A_79 : i32
      %parallel_loop3A_81 = arith.index_cast %parallel_loop3A_74 : i32 to index
      %parallel_loop3A_82 = arith.constant 0 : index
      %parallel_loop3A_83 = tpu.vector_load %arg9[%parallel_loop3A_81, %parallel_loop3A_82] {strides = array<i32>} : memref<128x56xf32, #tpu.memory_space<vmem>>, vector<16xf32>,
      %parallel_loop3A_84 = arith.index_cast %parallel_loop3A_80 : i32 to index
      %parallel_loop3A_85 = arith.constant 0 : index
      %parallel_loop3A_86 = tpu.vector_load %arg11[%parallel_loop3A_84, %parallel_loop3A_85] {strides = array<i32>} : memref<256x64xf32, #tpu.memory_space<vmem>>, vector<16xf32>,
      tpu.vector_store %arg11[%parallel_loop3A_84, %parallel_loop3A_85], %parallel_loop3A_83 {strides = array<i32>} : memref<256x64xf32, #tpu.memory_space<vmem>>, vector<16xf32>,
      %parallel_loop3A_87 = arith.index_cast %parallel_loop3A_74 : i32 to index
      %parallel_loop3A_88 = arith.constant 16 : index
      %parallel_loop3A_89 = tpu.vector_load %arg9[%parallel_loop3A_87, %parallel_loop3A_88] {strides = array<i32>} : memref<128x56xf32, #tpu.memory_space<vmem>>, vector<16xf32>,
      %parallel_loop3A_90 = arith.index_cast %parallel_loop3A_80 : i32 to index
      %parallel_loop3A_91 = arith.constant 16 : index
      %parallel_loop3A_92 = tpu.vector_load %arg11[%parallel_loop3A_90, %parallel_loop3A_91] {strides = array<i32>} : memref<256x64xf32, #tpu.memory_space<vmem>>, vector<16xf32>,
      tpu.vector_store %arg11[%parallel_loop3A_90, %parallel_loop3A_91], %parallel_loop3A_89 {strides = array<i32>} : memref<256x64xf32, #tpu.memory_space<vmem>>, vector<16xf32>,
      %parallel_loop3A_93 = arith.index_cast %parallel_loop3A_74 : i32 to index
      %parallel_loop3A_94 = arith.constant 32 : index
      %parallel_loop3A_95 = tpu.vector_load %arg9[%parallel_loop3A_93, %parallel_loop3A_94] {strides = array<i32>} : memref<128x56xf32, #tpu.memory_space<vmem>>, vector<16xf32>,
      %parallel_loop3A_96 = arith.index_cast %parallel_loop3A_80 : i32 to index
      %parallel_loop3A_97 = arith.constant 32 : index
      %parallel_loop3A_98 = tpu.vector_load %arg11[%parallel_loop3A_96, %parallel_loop3A_97] {strides = array<i32>} : memref<256x64xf32, #tpu.memory_space<vmem>>, vector<16xf32>,
      tpu.vector_store %arg11[%parallel_loop3A_96, %parallel_loop3A_97], %parallel_loop3A_95 {strides = array<i32>} : memref<256x64xf32, #tpu.memory_space<vmem>>, vector<16xf32>,
      %parallel_loop3A_99 = arith.index_cast %parallel_loop3A_74 : i32 to index
      %parallel_loop3A_100 = arith.constant 40 : index
      %parallel_loop3A_101 = tpu.vector_load %arg9[%parallel_loop3A_99, %parallel_loop3A_100] {strides = array<i32>} : memref<128x56xf32, #tpu.memory_space<vmem>>, vector<16xf32>,
      %parallel_loop3A_102 = vector.broadcast %parallel_loop3A_80 : i32 to vector<16xi32>
      tpu.vector_store_idx %arg11[%parallel_loop3A_102, %add3A_14], %parallel_loop3A_101 masked %ge3A_16 : memref<256x64xf32, #tpu.memory_space<vmem>>[vector<16xi32>, vector<16xi32>], vector<16xf32>, vector<16xi1>
    } {sc.loop_unroll_factor = 1 : i64, sc.parallel_access}
    %parallel_loop3A_69 = arith.constant 64 : i32
    %parallel_loop3A_70 = arith.constant 128 : i32
    %parallel_loop3A_71 = arith.constant 1 : i32
    scf.for %parallel_loop3A_74 = %parallel_loop3A_69 to %parallel_loop3A_70 step %parallel_loop3A_71  : i32 {
      %parallel_loop3A_75 = arith.constant 4 : i32
      %parallel_loop3A_76 = arith.muli %parallel_loop3A_74, %parallel_loop3A_75 : i32
      %parallel_loop3A_77 = arith.constant 3 : i32
      %parallel_loop3A_78 = arith.addi %parallel_loop3A_76, %parallel_loop3A_77 : i32
      %parallel_loop3A_79 = arith.constant 256 : i32
      %parallel_loop3A_80 = arith.subi %parallel_loop3A_78, %parallel_loop3A_79 : i32
      %parallel_loop3A_81 = arith.index_cast %parallel_loop3A_74 : i32 to index
      %parallel_loop3A_82 = arith.constant 0 : index
      %parallel_loop3A_83 = tpu.vector_load %arg10[%parallel_loop3A_81, %parallel_loop3A_82] {strides = array<i32>} : memref<128x56xf32, #tpu.memory_space<vmem>>, vector<16xf32>,
      %parallel_loop3A_84 = arith.index_cast %parallel_loop3A_80 : i32 to index
      %parallel_loop3A_85 = arith.constant 0 : index
      %parallel_loop3A_86 = tpu.vector_load %arg11[%parallel_loop3A_84, %parallel_loop3A_85] {strides = array<i32>} : memref<256x64xf32, #tpu.memory_space<vmem>>, vector<16xf32>,
      tpu.vector_store %arg11[%parallel_loop3A_84, %parallel_loop3A_85], %parallel_loop3A_83 {strides = array<i32>} : memref<256x64xf32, #tpu.memory_space<vmem>>, vector<16xf32>,
      %parallel_loop3A_87 = arith.index_cast %parallel_loop3A_74 : i32 to index
      %parallel_loop3A_88 = arith.constant 16 : index
      %parallel_loop3A_89 = tpu.vector_load %arg10[%parallel_loop3A_87, %parallel_loop3A_88] {strides = array<i32>} : memref<128x56xf32, #tpu.memory_space<vmem>>, vector<16xf32>,
      %parallel_loop3A_90 = arith.index_cast %parallel_loop3A_80 : i32 to index
      %parallel_loop3A_91 = arith.constant 16 : index
      %parallel_loop3A_92 = tpu.vector_load %arg11[%parallel_loop3A_90, %parallel_loop3A_91] {strides = array<i32>} : memref<256x64xf32, #tpu.memory_space<vmem>>, vector<16xf32>,
      tpu.vector_store %arg11[%parallel_loop3A_90, %parallel_loop3A_91], %parallel_loop3A_89 {strides = array<i32>} : memref<256x64xf32, #tpu.memory_space<vmem>>, vector<16xf32>,
      %parallel_loop3A_93 = arith.index_cast %parallel_loop3A_74 : i32 to index
      %parallel_loop3A_94 = arith.constant 32 : index
      %parallel_loop3A_95 = tpu.vector_load %arg10[%parallel_loop3A_93, %parallel_loop3A_94] {strides = array<i32>} : memref<128x56xf32, #tpu.memory_space<vmem>>, vector<16xf32>,
      %parallel_loop3A_96 = arith.index_cast %parallel_loop3A_80 : i32 to index
      %parallel_loop3A_97 = arith.constant 32 : index
      %parallel_loop3A_98 = tpu.vector_load %arg11[%parallel_loop3A_96, %parallel_loop3A_97] {strides = array<i32>} : memref<256x64xf32, #tpu.memory_space<vmem>>, vector<16xf32>,
      tpu.vector_store %arg11[%parallel_loop3A_96, %parallel_loop3A_97], %parallel_loop3A_95 {strides = array<i32>} : memref<256x64xf32, #tpu.memory_space<vmem>>, vector<16xf32>,
      %parallel_loop3A_99 = arith.index_cast %parallel_loop3A_74 : i32 to index
      %parallel_loop3A_100 = arith.constant 40 : index
      %parallel_loop3A_101 = tpu.vector_load %arg10[%parallel_loop3A_99, %parallel_loop3A_100] {strides = array<i32>} : memref<128x56xf32, #tpu.memory_space<vmem>>, vector<16xf32>,
      %parallel_loop3A_102 = vector.broadcast %parallel_loop3A_80 : i32 to vector<16xi32>
      tpu.vector_store_idx %arg11[%parallel_loop3A_102, %add3A_14], %parallel_loop3A_101 masked %ge3A_16 : memref<256x64xf32, #tpu.memory_space<vmem>>[vector<16xi32>, vector<16xi32>], vector<16xf32>, vector<16xi1>
    } {sc.loop_unroll_factor = 1 : i64, sc.parallel_access}
    %add3A_72 = arith.constant 256 : i32
    %add3A_73 = arith.addi %mul3A_2, %add3A_72 : i32
    "tpu.region"() ({
      %run_scoped3A = tpu.sem_alloc : memref<!tpu.dma_semaphore, #tpu.memory_space<semaphore_mem>>
      %dma_start3A = arith.constant 0 : i32
      %dma_start3A_74 = tpu.memref_slice %arg5[%add3A_73, %dma_start3A] : memref<16384x64xf32, #tpu.memory_space<hbm>> -> memref<256x64xf32, #tpu.memory_space<hbm>>
      %dma_start3A_75 = arith.constant 0 : i32
      %dma_start3A_76 = tpu.memref_slice %arg5[%add3A_73, %dma_start3A_75] : memref<16384x64xf32, #tpu.memory_space<hbm>> -> memref<256x64xf32, #tpu.memory_space<hbm>>
      tpu.enqueue_dma source(%arg11 : memref<256x64xf32, #tpu.memory_space<vmem>>) target(%dma_start3A_76 : memref<256x64xf32, #tpu.memory_space<hbm>>) target_semaphore(%run_scoped3A : memref<!tpu.dma_semaphore, #tpu.memory_space<semaphore_mem>>)
      %dma_wait3A_77 = arith.constant 0 : i32
      %dma_wait3A_78 = tpu.memref_slice %arg5[%add3A_73, %dma_wait3A_77] : memref<16384x64xf32, #tpu.memory_space<hbm>> -> memref<256x64xf32, #tpu.memory_space<hbm>>
      %dma_wait3A_79 = arith.constant 0 : i32
      %dma_wait3A_80 = tpu.memref_slice %arg5[%add3A_73, %dma_wait3A_79] : memref<16384x64xf32, #tpu.memory_space<hbm>> -> memref<256x64xf32, #tpu.memory_space<hbm>>
      tpu.wait_dma2 semaphore(%run_scoped3A : memref<!tpu.dma_semaphore, #tpu.memory_space<semaphore_mem>>) src(%arg11 : memref<256x64xf32, #tpu.memory_space<vmem>>) dst(%dma_wait3A_80 : memref<256x64xf32, #tpu.memory_space<hbm>>)
      tpu.yield
    }) : () -> ()
    return
  }
}

</mosaic_0001>

<sc_bundles>
// kernel: kernel.3.cloned.1.call-start
scs
__scs_entry_jumppad:
0x0: {  	(pc) =	sbr.rel $0x88, $3  }
0x1: {  	(tag) =	ssettag $0x0;
	lr =	simm.s32 $0x1  }
0x2: {  	[smem:$0x3F9E] =	sst lr;
	_ =	strace $0xD0000000  }
0x3: {  	_ = 	snop  }
0x4: {  	_ = 	snop  }
0x5: {  	_ = 	snop  }
0x6: {  	_ = 	snop  }
0x7: {  	_ = 	snop  }
__scs_overlays_trampoline_lowered:
0x8: {  	[smem:$0x3FAD] =	sst s0  }
0x9: {  	[smem:$0x3FAE] =	sst s1  }
0xa: {  	[smem:$0x3FAF] =	sst s2  }
0xb: {  	[smem:$0x3FB0] =	sst s3  }
0xc: {  	[smem:$0x3FB1] =	sst s4  }
0xd: {  	[smem:$0x3FB2] =	sst s5  }
0xe: {  	[smem:$0x3FB3] =	sst s6  }
0xf: {  	[smem:$0x3FB4] =	sst s7  }
0x10: {  	[smem:$0x3FB5] =	sst s8  }
0x11: {  	[smem:$0x3FB6] =	sst s9;
	s0 =	simm.s32 @!p0 $0x0  }
0x12: {  	s1 =	sld [smem:$0x3F9C];
	s0 =	simm.s32 @p0 $0x1  }
0x13: {  	[smem:$0x3FB7] =	sst s0;
	s0 =	simm.s32 @!p1 $0x0  }
0x14: {  	s2 =	sld [smem:$0x3F9B];
	s0 =	simm.s32 @p1 $0x1  }
0x15: {  	[smem:$0x3FB8] =	sst s0;
	s0 =	simm.s32 @!p2 $0x0  }
0x16: {  	s3 =	sld [smem:$0x3FDB];
	s0 =	simm.s32 @p2 $0x1  }
0x17: {  	s4 =	simm.s32 $0x1BF5;
	[smem:$0x3FBA] =	sst s0  }
0x18: {  	s0 =	sld [smem:$0x3F9D];
	_ =	swait.ge [sflag:s4], $0x0  }
0x19: {  	s7 =	sld [smem:$0x3F9E]  }
0x1a: {  	s8 =	sadd.s32 $0xFFFFE003, lr  }
0x1b: {  	s9 =	sadd.s32 $0xFFFFFEF7, lr;
	s5 =	simm.s32 $0xFFFFFFFF;
	p2 =	slt.u32 s8, $0xFFFFF086  }
0x1c: {  	p1 =	slt.u32 s9, $0xF7A;
	s5 =	simm.s32 @!p2 $0x0  }
0x1d: {  	s5 =	simm.s32 @p1 $0x1;
	p0 =	seq.s32 s7, s2  }
0x1e: {  	s7 =	smul.u32 @!p0 $0xF7A, s2;
	p2 =	seq.s32 @!p0 s5, $0x0  }
0x1f: {  	s9 =	smul.u32 $0xF7A, s1;
	s8 =	simm.s32 @!p0 $0x1BF5;
	p2 =	por !p2, p0  }
0x20: {  	[sflag:s8] =	ssyncset.s32 @!p0 $0xFFFFF086;
	s6 =	sadd.s32 @!p0 s3, s7;
	s7 =	simm.s32 @!p0 $0x108  }
0x21: {  	s3 =	sadd.s32 s3, s9;
	s6 =	sadd.s32 @!p0 $0x88, s6;
	s7 =	simm.s32 @p2 $0x1082  }
0x22: {  	[simem:s7], [sflag:s8] =	dma.local @!p0 [hbm:s6], $0xF7A  }
0x23: {  	s9 =	sor.u32 $0xD0000000, s2;
	s6 =	simm.s32 $0x108;
	_ =	swait.ge @!p0 [sflag:s8], $0x0  }
0x24: {  	s3 =	sadd.s32 $0x88, s3;
	s6 =	simm.s32 @!p1 $0x1082;
	[sflag:s4] =	ssyncset.s32 $0xFFFFF086  }
0x25: {  	[simem:s6], [sflag:s4] =	dma.local [hbm:s3], $0xF7A  }
0x26: {  	[smem:$0x3F9E] =	sst s1;
	(tag) =	ssettag s2;
	_ =	strace s9  }
0x27: {  	s1 =	sld [smem:$0x3FAE]  }
0x28: {  	s2 =	sld [smem:$0x3FAF]  }
0x29: {  	s4 =	sld [smem:$0x3FB1]  }
0x2a: {  	p0 =	seq.s32 s5, $0x0;
	s5 =	sld [smem:$0x3FB2]  }
0x2b: {  	s6 =	sld [smem:$0x3FB3]  }
0x2c: {  	s7 =	sld [smem:$0x3FB4]  }
0x2d: {  	s3 =	simm.s32 $0x108;
	s8 =	sld [smem:$0x3FB5]  }
0x2e: {  	s3 =	simm.s32 @!p0 $0x1082;
	s9 =	sld [smem:$0x3FB6]  }
0x2f: {  	lr =	sadd.s32 s0, s3;
	s0 =	sld [smem:$0x3FAD]  }
0x30: {  	s3 =	sld [smem:$0x3FB0]  }
0x31: {  	[smem:$0x3FB9] =	sst s10  }
0x32: {  	s10 =	sld [smem:$0x3FB7];
	_ =	sdelay $0x3  }
0x33: {  	p0 =	seq.s32 s10, $0x1;
	s10 =	sld [smem:$0x3FB9];
	_ =	sdelay $0x3  }
0x34: {  	[smem:$0x3FB9] =	sst s10  }
0x35: {  	s10 =	sld [smem:$0x3FB8];
	_ =	sdelay $0x3  }
0x36: {  	p1 =	seq.s32 s10, $0x1;
	s10 =	sld [smem:$0x3FB9];
	_ =	sdelay $0x3  }
0x37: {  	[smem:$0x3FB9] =	sst s10  }
0x38: {  	s10 =	sld [smem:$0x3FBA]  }
0x39: {  	_ = 	snop;
	(pc) =	sbr.ind lr, $3  }
0x3a: {  	_ = 	snop  }
0x3b: {  	_ = 	snop  }
0x3c: {  	p2 =	seq.s32 s10, $0x1;
	s10 =	sld [smem:$0x3FB9]  }
0x3d: {  	_ =	shalt  }
0x3e: {  	_ =	shalt  }
0x3f: {  	_ =	shalt  }
0x40: {  	_ =	shalt  }
0x41: {  	_ =	shalt  }
0x42: {  	_ =	shalt  }
0x43: {  	_ =	shalt  }
0x44: {  	_ =	shalt  }
0x45: {  	_ =	shalt  }
0x46: {  	_ =	shalt  }
0x47: {  	_ =	shalt  }
0x48: {  	_ =	shalt  }
0x49: {  	_ =	shalt  }
0x4a: {  	_ =	shalt  }
0x4b: {  	_ =	shalt  }
0x4c: {  	_ =	shalt  }
0x4d: {  	_ =	shalt  }
0x4e: {  	_ =	shalt  }
0x4f: {  	_ =	shalt  }
0x50: {  	_ =	shalt  }
0x51: {  	_ =	shalt  }
0x52: {  	_ =	shalt  }
0x53: {  	_ =	shalt  }
0x54: {  	_ =	shalt  }
0x55: {  	_ =	shalt  }
0x56: {  	_ =	shalt  }
0x57: {  	_ =	shalt  }
0x58: {  	_ =	shalt  }
0x59: {  	_ =	shalt  }
0x5a: {  	_ =	shalt  }
0x5b: {  	_ =	shalt  }
0x5c: {  	_ =	shalt  }
0x5d: {  	_ =	shalt  }
0x5e: {  	_ =	shalt  }
0x5f: {  	_ =	shalt  }
0x60: {  	_ =	shalt  }
0x61: {  	_ =	shalt  }
0x62: {  	_ =	shalt  }
0x63: {  	_ =	shalt  }
0x64: {  	_ =	shalt  }
0x65: {  	_ =	shalt  }
0x66: {  	_ =	shalt  }
0x67: {  	_ =	shalt  }
0x68: {  	_ =	shalt  }
0x69: {  	_ =	shalt  }
0x6a: {  	_ =	shalt  }
0x6b: {  	_ =	shalt  }
0x6c: {  	_ =	shalt  }
0x6d: {  	_ =	shalt  }
0x6e: {  	_ =	shalt  }
0x6f: {  	_ =	shalt  }
0x70: {  	_ =	shalt  }
0x71: {  	_ =	shalt  }
0x72: {  	_ =	shalt  }
0x73: {  	_ =	shalt  }
0x74: {  	_ =	shalt  }
0x75: {  	_ =	shalt  }
0x76: {  	_ =	shalt  }
0x77: {  	_ =	shalt  }
0x78: {  	_ =	shalt  }
0x79: {  	_ =	shalt  }
0x7a: {  	_ =	shalt  }
0x7b: {  	_ =	shalt  }
0x7c: {  	_ =	shalt  }
0x7d: {  	_ =	shalt  }
0x7e: {  	_ =	shalt  }
0x7f: {  	_ =	shalt  }
0x80: {  	_ =	shalt  }
0x81: {  	_ =	shalt  }
0x82: {  	_ =	shalt  }
0x83: {  	_ =	shalt  }
0x84: {  	_ =	shalt  }
0x85: {  	_ =	shalt  }
0x86: {  	_ =	shalt  }
0x87: {  	_ =	shalt  }
.Lfunc_end0:
.L_simem_size_0:
called_computation_lowered:
.L_overlay_start_0:
0x88: {  	s2 =	sld [smem:$0x3FD9]  }
0x89: {  	s3 =	sld [smem:$0x3FFE];
	_ =	sdelay $0x1  }
0x8a: {  	s1 =	srdreg.scid  }
0x8b: {  	s0 =	sand.u32 $0x1, s1  }
0x8c: {  	s17 =	sshll.u32 s0, $0xA;
	s2 =	sadd.s32 s3, s2  }
0x8d: {  	s2 =	sadd.s32 s2, s17  }
0x8e: {  	[smem:$0x3FC5] =	sst s2  }
0x8f: {  	_ = 	snop  }
0x90: {  	s2 =	sld [smem:$0x3FC9]  }
0x91: {  	s18 =	sld [smem:$0x3FC7];
	(tm) =	ssettm $0x1  }
0x92: {  	s4 =	sld [smem:$0x3FFB];
	_ =	sdelay $0x3  }
0x93: {  	_ =	strace s4  }
0x94: {  	s4 =	sld [smem:$0x3FFC];
	_ =	sdelay $0x3  }
0x95: {  	_ =	strace s4  }
0x96: {  	s4 =	sld [smem:$0x3FFD];
	_ =	sdelay $0x3  }
0x97: {  	_ =	strace s4  }
0x98: {  	_ =	strace $0x8FFFFFFF  }
0x99: {  	s19 =	sld [smem:$0x3FDB];
	_ =	sdelay $0x1  }
0x9a: {  	s5 =	simm.s32 $_scs_section_size  }
0x9b: {  	s6 =	simm.s32 $_size__tile_overlayer_lowered;
	s7 =	simm.s32 $_tile_overlayer_lowered  }
0x9c: {  	s22 =	simm.s32 $0x1BFF;
	s21 =	sshll.u32 s7, $0x1;
	s4 =	sadd.s32 s5, s19  }
0x9d: {  	s8 =	simm.s32 $0x0;
	s20 =	sshll.u32 s6, $0x1;
	s6 =	sadd.s32 s21, s4  }
0x9e: {  	[timem:s8], [sflag:s22] =	dma.local [hbm:s6], s20  }
0x9f: {  	_ =	swait.ge [sflag:s22], s20  }
0xa0: {  	s5 =	ssub.s32 $0x0, s20;
	[sflag:s22] =	ssyncset.done $0x0  }
0xa1: {  	[sflag:s22] =	ssyncadd.s32 s5;
	_ =	sdelay $0x1  }
0xa2: {  	s23 =	simm.s32 $0x1B8B  }
0xa3: {  	_ =	swait.ge [sflag:s23], $0x1  }
0xa4: {  	[sflag:s23] =	ssyncset.done $0x0  }
0xa5: {  	s25 =	simm.s32 $0x1B8E;
	s24 =	sld [smem:$0x3FFE];
	[sflag:s23] =	ssyncadd.s32 $0xFFFFFFFF  }
0xa6: {  	s26 =	simm.s32 $execute0_lowered;
	[smem:$0x3FD2] =	sst s25  }
0xa7: {  	s6 =	sshll.u32 s26, $0x1;
	_ =	strace $0x80000046;
	[dreg:$0x1] =	wrdreg $0xFFFFFFFF  }
0xa8: {  	s28 =	simm.s32 $_size_execute0_lowered;
	s4 =	sadd.s32 s4, s6;
	[dreg:$0x0] =	wrdreg $0x0  }
0xa9: {  	s6 =	sshll.u32 s28, $0x1;
	[dreg:$0x2] =	wrdreg s4  }
0xaa: {  	[dreg:$0x3] =	wrdreg s6  }
0xab: {  	[dreg:$0x4] =	wrdreg $0xC0  }
0xac: {  	_ =	task [dreg:s8], $0x5FFFF  }
0xad: {  	[dreg:$0x1] =	wrdreg $0xFFFFFFFF  }
0xae: {  	[dreg:$0x0] =	wrdreg $0x60  }
0xaf: {  	[dreg:$0x2] =	wrdreg s2  }
0xb0: {  	[dreg:$0x3] =	wrdreg s24  }
0xb1: {  	[dreg:$0x4] =	wrdreg s18  }
0xb2: {  	[dreg:$0x5] =	wrdreg $0x9  }
0xb3: {  	_ =	task.clear_ibuf [dreg:s8], $0x6FFFF;
	_ =	strace $0x90000046  }
0xb4: {  	s29 =	simm.s32 $0x9;
	_ =	strace $0x80000048  }
0xb5: {  	_ =	swait.ge [sflag:s29], $0x1  }
0xb6: {  	[sflag:s29] =	ssyncadd.s32 $0xFFFFFFFF  }
0xb7: {  	_ =	strace $0x90000048  }
0xb8: {  	_ =	sfence  }
0xb9: {  	s30 =	sld [smem:$0x0];
	_ =	sdelay $0x2  }
0xba: {  	s31 =	sshll.u32 s1, $0xD;
	s1 =	sshrl.u32 s1, $0x2  }
0xbb: {  	s3 =	sand.u32 $0x4000, s31;
	s1 =	sadd.s32 s1, s30  }
0xbc: {  	s0 =	sor.u32 s3, s0;
	s1 =	sshll.u32 s1, $0x11  }
0xbd: {  	s0 =	sor.u32 s1, s0  }
0xbe: {  	s0 =	sadd.s32 $0x8F2B, s0  }
0xbf: {  	[sflag:s0] =	ssyncadd.remote.s32 $0x1  }
0xc0: {  	_ =	sfence.sel $0xFFFF  }
0xc1: {  	[dreg:$0x0] =	wrdreg $0xFFFFFFFF;
	(pc) =	sbr.abs _section_cstart, $3  }
0xc2: {  	[dreg:$0x1] =	wrdreg $0xFFFFFFFF  }
0xc3: {  	_ =	task.clear_ibuf [dreg:s8], $0x2FFFF;
	_ =	strace $0x9FFFFFFF  }
0xc4: {  	(tm) =	ssettm $0x7FFFFFFF  }
0xc5: {  	_ =	shalt  }
tec
execute0_lowered:
.L_overlay_start_1:
0x0: {  	(tag) =	ssettag $0x1  }
0x1: {  	s5 =	rddreg [dreg:$0x0]  }
0x2: {  	s6 =	rddreg [dreg:$0x1]  }
0x3: {  	s1 =	rddreg [dreg:$0x2]  }
0x4: {  	s3 =	simm.s32 $0x0;
	s4 =	srdreg.scid;
	s0 =	stileid.u32  }
0x5: {  	s12 =	simm.s32 $0x1;
	s13 =	simm.s32 $0x2;
	s14 =	simm.s32 $0x3  }
0x6: {  	s15 =	simm.s32 $0x4;
	s16 =	simm.s32 $0x10200;
	s17 =	simm.s32 $0x0  }
0x7: {  	[smem:$0x7FF] =	sst s3;
	s7 =	sand.u32 $0x1, s4;
	s8 =	sshll.u32 s0, $0xA  }
0x8: {  	s4 =	sadd.s32 $0x400, s6;
	s9 =	sshll.u32 s7, $0x9;
	s7 =	ssub.s32 $0x2, s7  }
0x9: {  	vm0 =	vcmask $0x3F20;
	_ =	strace $0x80000047;
	s8 =	sor.u32 s9, s8;
	s10 =	sshrl.u32 s7, $0x1  }
0xa: {  	v2 =	vlaneseq.u32;
	s9 =	sshll.u32 s8, $0x4;
	s8 =	sshrl.u32 s8, $0x3;
	s10 =	ssub.s32 s7, s10  }
0xb: {  	v0 =	vshrl.u32 v2, $0x3;
	v1 =	vor.u32 $0x38, v2;
	s9 =	sadd.s32 s9, s6;
	s5 =	sadd.s32 s5, s8;
	s8 =	smax.u32 s10, $0x1  }
0xc: {  	v2 =	vadd.s32 $0x28, v2;
	v0 =	vmul.u32 $0x80, v0;
	s6 =	sadd.s32 $0xF42800, s9;
	s7 =	sadd.s32 $0xF43800, s9;
	s9 =	simm.s32 $0x5  }
.LBB2_1:
0xd: {  	[tilespmem:s3], [sflag:$0x5] =	stream.linear.gather [hbm4b:s5+s3], $0x200, $0x38;
	[tilespmem:$0x18280] =	vst v63  }
0xe: {  	_ =	swait.ge [sflag:s9], $0x200  }
0xf: {  	[sflag:s9] =	ssyncset.done $0x0  }
0x10: {  	[sflag:s9] =	ssyncadd.s32 $0xFFFFFE00  }
0x11: {  	v3 =	vld [tilespmem:s3+$0x0];
	_ =	sdelay $0x4  }
0x12: {  	v3 =	vshll.u32 v3, $0x4  }
0x13: {  	(v2sf) =	vpush v3, $0x0  }
0x14: {  	(v2sf) =	vpush v3, $0x1  }
0x15: {  	(v2sf) =	vpush v3, $0x2;
	_ =	sdelay $0x1  }
0x16: {  	(v2sf) =	vpush v3, $0x3;
	_ =	sdelay $0x1  }
0x17: {  	(v2sf) =	vpush v3, $0x4;
	_ =	sdelay $0x1  }
0x18: {  	(v2sf) =	vpush v3, $0x5  }
0x19: {  	(v2sf) =	vpush v3, $0x6;
	_ =	sdelay $0x1  }
0x1a: {  	(v2sf) =	vpush v3, $0x7  }
0x1b: {  	s19 =	simm.s32 $0x800  }
0x1c: {  	s18 =	simm.s32 $0x0;
	s20 =	simm.s32 $0x4380;
	s21 =	simm.s32 $0x8280  }
0x1d: {  	s22 =	simm.s32 $0xC200;
	s23 =	simm.s32 $0x280;
	s24 =	simm.s32 $0x4280  }
0x1e: {  	s25 =	simm.s32 $0x4200;
	s26 =	simm.s32 $0x8200;
	(v2sf) =	vpush v3, $0x8;
	s28 =	spop (v2sf)  }
0x1f: {  	s29 =	simm.s32 $0x200;
	s28 =	sand.u32 $0x1FFFFFF0, s28;
	s30 =	spop (v2sf)  }
0x20: {  	s28 =	sadd.s32 s4, s28;
	s30 =	sand.u32 $0x1FFFFFF0, s30;
	s31 =	spop (v2sf)  }
0x21: {  	[tilespmem:s29], [sflag:$0x1] =	stream.linear.gather [hbm4b:s28+s3], $0x80, $0x38;
	[tilespmem:$0x18280] =	vst v63  }
0x22: {  	(v2sf) =	vpush v3, $0x9;
	s28 =	sadd.s32 s4, s30;
	s0 =	sand.u32 $0x1FFFFFF0, s31;
	s2 =	spop (v2sf)  }
0x23: {  	[tilespmem:s25], [sflag:$0x2] =	stream.linear.gather [hbm4b:s28+s3], $0x80, $0x38;
	[tilespmem:$0x18280] =	vst v63  }
0x24: {  	s10 =	sadd.s32 s4, s0;
	s11 =	spop (v2sf);
	s28 =	sand.u32 $0x1FFFFFF0, s2  }
0x25: {  	(v2sf) =	vpush v3, $0xA;
	[tilespmem:s26], [sflag:$0x3] =	stream.linear.gather [hbm4b:s10+s3], $0x80, $0x38;
	[tilespmem:$0x18280] =	vst v63  }
0x26: {  	s29 =	sand.u32 $0x1FFFFFF0, s11;
	s26 =	sadd.s32 s4, s28;
	s28 =	spop (v2sf);
	(v2sf) =	vpush v3, $0xB  }
0x27: {  	s30 =	sadd.s32 s4, s29;
	s31 =	sand.u32 $0x1FFFFFF0, s28;
	s0 =	spop (v2sf)  }
0x28: {  	(v2sf) =	vpush v3, $0xC;
	[tilespmem:s22], [sflag:$0x4] =	stream.linear.gather [hbm4b:s26+s3], $0x80, $0x38;
	[tilespmem:$0x18280] =	vst v63  }
0x29: {  	s2 =	sadd.s32 s4, s31;
	s10 =	sand.u32 $0x1FFFFFF0, s0;
	s11 =	spop (v2sf)  }
0x2a: {  	(v2sf) =	vpush v3, $0xD;
	[tilespmem:s23], [sflag:$0x1] =	stream.linear.gather [hbm4b:s30+s3], $0x80, $0x38;
	[tilespmem:$0x18280] =	vst v63  }
0x2b: {  	s26 =	simm.s32 $0xC280;
	s31 =	simm.s32 $0x300;
	s22 =	simm.s32 $0x1000  }
0x2c: {  	(v2sf) =	vpush v3, $0xE;
	[tilespmem:s24], [sflag:$0x2] =	stream.linear.gather [hbm4b:s2+s3], $0x80, $0x38;
	[tilespmem:$0x18280] =	vst v63  }
0x2d: {  	s25 =	spop (v2sf);
	s23 =	sadd.s32 s4, s10;
	s24 =	sand.u32 $0x1FFFFFF0, s11  }
0x2e: {  	(v2sf) =	vpush v3, $0xF;
	[tilespmem:s21], [sflag:$0x3] =	stream.linear.gather [hbm4b:s23+s3], $0x80, $0x38;
	[tilespmem:$0x18280] =	vst v63  }
0x2f: {  	s30 =	sand.u32 $0x1FFFFFF0, s25;
	s29 =	sadd.s32 s4, s24;
	s21 =	simm.s32 $0x10  }
0x30: {  	[tilespmem:s26], [sflag:$0x4] =	stream.linear.gather [hbm4b:s29+s3], $0x80, $0x38;
	[tilespmem:$0x18280] =	vst v63  }
0x31: {  	s25 =	simm.s32 $0x8300;
	s28 =	spop (v2sf);
	s23 =	sadd.s32 s4, s30;
	v3 =	vld [tilespmem:s21+$0x0]  }
0x32: {  	[tilespmem:s31], [sflag:$0x1] =	stream.linear.gather [hbm4b:s23+s3], $0x80, $0x38;
	[tilespmem:$0x18280] =	vst v63  }
0x33: {  	s24 =	simm.s32 $0xC300;
	s26 =	simm.s32 $0x4300;
	s23 =	simm.s32 $0x380  }
.LBB2_2:
0x34: {  	p0 =	sne.s32 s22, $0xF800;
	s28 =	sand.u32 $0x1FFFFFF0, s28;
	s29 =	spop (v2sf)  }
0x35: {  	s28 =	sadd.s32 s4, s28;
	s29 =	sand.u32 $0x1FFFFFF0, s29;
	s30 =	spop (v2sf)  }
0x36: {  	v3 =	vshll.u32 v3, $0x4;
	[tilespmem:s26], [sflag:$0x2] =	stream.linear.gather [hbm4b:s28+s3], $0x80, $0x38;
	[tilespmem:$0x18280] =	vst v63  }
0x37: {  	s26 =	sadd.s32 s4, s29;
	s28 =	sand.u32 $0x1FFFFFF0, s30;
	(v2sf) =	vpush v3, $0x0;
	s29 =	spop (v2sf)  }
0x38: {  	(v2sf) =	vpush v3, $0x1;
	[tilespmem:s25], [sflag:$0x3] =	stream.linear.gather [hbm4b:s26+s3], $0x80, $0x38;
	[tilespmem:$0x18280] =	vst v63  }
0x39: {  	s25 =	sadd.s32 s4, s28;
	s26 =	sand.u32 $0x1FFFFFF0, s29;
	(v2sf) =	vpush v3, $0x2;
	s28 =	spop (v2sf)  }
0x3a: {  	[tilespmem:s24], [sflag:$0x4] =	stream.linear.gather [hbm4b:s25+s3], $0x80, $0x38;
	[tilespmem:$0x18280] =	vst v63  }
0x3b: {  	s24 =	sadd.s32 s4, s26;
	s25 =	sand.u32 $0x1FFFFFF0, s28;
	(v2sf) =	vpush v3, $0x3;
	s26 =	spop (v2sf)  }
0x3c: {  	[tilespmem:s23], [sflag:$0x1] =	stream.linear.gather [hbm4b:s24+s3], $0x80, $0x38;
	[tilespmem:$0x18280] =	vst v63  }
0x3d: {  	s23 =	sadd.s32 s4, s25;
	s24 =	sand.u32 $0x1FFFFFF0, s26;
	(v2sf) =	vpush v3, $0x4;
	s25 =	spop (v2sf)  }
0x3e: {  	[tilespmem:s20], [sflag:$0x2] =	stream.linear.gather [hbm4b:s23+s3], $0x80, $0x38;
	[tilespmem:$0x18280] =	vst v63  }
0x3f: {  	s20 =	sadd.s32 $0x8380, s18;
	s23 =	sadd.s32 s4, s24;
	s24 =	sand.u32 $0x1FFFFFF0, s25;
	(v2sf) =	vpush v3, $0x5  }
0x40: {  	[tilespmem:s20], [sflag:$0x3] =	stream.linear.gather [hbm4b:s23+s3], $0x80, $0x38;
	[tilespmem:$0x18280] =	vst v63  }
0x41: {  	s20 =	sadd.s32 $0xC380, s18;
	s18 =	sshra.s32 s19, $0x2;
	s19 =	sadd.s32 s4, s24;
	(v2sf) =	vpush v3, $0x6  }
0x42: {  	[tilespmem:s20], [sflag:$0x4] =	stream.linear.gather [hbm4b:s19+s3], $0x80, $0x38;
	[tilespmem:$0x18280] =	vst v63  }
0x43: {  	s21 =	sadd.s32 $0x10, s21;
	s20 =	sadd.s32 $0x4380, s18;
	s19 =	smov.u32 s22;
	(v2sf) =	vpush v3, $0x7  }
0x44: {  	s25 =	sadd.s32 $0x8280, s18;
	s24 =	sadd.s32 $0xC300, s18;
	s23 =	sadd.s32 $0x380, s18  }
0x45: {  	s26 =	sadd.s32 $0xC200, s18;
	s28 =	sadd.s32 $0x280, s18;
	s29 =	sadd.s32 $0x4280, s18;
	(v2sf) =	vpush v3, $0x8  }
0x46: {  	s30 =	sadd.s32 $0x4200, s18;
	s31 =	sadd.s32 $0x8200, s18;
	s0 =	spop (v2sf)  }
0x47: {  	s2 =	sadd.s32 $0x200, s18;
	s0 =	sand.u32 $0x1FFFFFF0, s0;
	s10 =	spop (v2sf)  }
0x48: {  	s0 =	sadd.s32 s4, s0;
	s10 =	sand.u32 $0x1FFFFFF0, s10;
	s11 =	spop (v2sf)  }
0x49: {  	[tilespmem:s2], [sflag:$0x1] =	stream.linear.gather [hbm4b:s0+s3], $0x80, $0x38;
	[tilespmem:$0x18280] =	vst v63  }
0x4a: {  	s0 =	sadd.s32 s4, s10;
	s2 =	sand.u32 $0x1FFFFFF0, s11;
	s10 =	spop (v2sf)  }
0x4b: {  	[tilespmem:s30], [sflag:$0x2] =	stream.linear.gather [hbm4b:s0+s3], $0x80, $0x38;
	(v2sf) =	vpush v3, $0x9;
	[tilespmem:$0x18280] =	vst v63  }
0x4c: {  	s0 =	sadd.s32 s4, s2;
	s2 =	sand.u32 $0x1FFFFFF0, s10;
	s10 =	spop (v2sf);
	(v2sf) =	vpush v3, $0xA  }
0x4d: {  	[tilespmem:s31], [sflag:$0x3] =	stream.linear.gather [hbm4b:s0+s3], $0x80, $0x38;
	(v2sf) =	vpush v3, $0xB;
	[tilespmem:$0x18280] =	vst v63  }
0x4e: {  	s0 =	sadd.s32 s4, s2;
	s2 =	sand.u32 $0x1FFFFFF0, s10;
	s10 =	spop (v2sf)  }
0x4f: {  	[tilespmem:s26], [sflag:$0x4] =	stream.linear.gather [hbm4b:s0+s3], $0x80, $0x38;
	(v2sf) =	vpush v3, $0xC;
	[tilespmem:$0x18280] =	vst v63  }
0x50: {  	s0 =	sadd.s32 s4, s2;
	s2 =	sand.u32 $0x1FFFFFF0, s10;
	s10 =	spop (v2sf)  }
0x51: {  	[tilespmem:s28], [sflag:$0x1] =	stream.linear.gather [hbm4b:s0+s3], $0x80, $0x38;
	(v2sf) =	vpush v3, $0xD;
	[tilespmem:$0x18280] =	vst v63  }
0x52: {  	s0 =	sadd.s32 s4, s2;
	s2 =	sand.u32 $0x1FFFFFF0, s10;
	s10 =	spop (v2sf)  }
0x53: {  	[tilespmem:s29], [sflag:$0x2] =	stream.linear.gather [hbm4b:s0+s3], $0x80, $0x38;
	[tilespmem:$0x18280] =	vst v63  }
0x54: {  	(v2sf) =	vpush v3, $0xE;
	s0 =	sadd.s32 s4, s2;
	s2 =	sand.u32 $0x1FFFFFF0, s10  }
0x55: {  	s10 =	spop (v2sf);
	s2 =	sadd.s32 s4, s2  }
0x56: {  	[tilespmem:s25], [sflag:$0x3] =	stream.linear.gather [hbm4b:s0+s3], $0x80, $0x38;
	(v2sf) =	vpush v3, $0xF;
	[tilespmem:$0x18280] =	vst v63  }
.Ltmp0:
0x57: {  	s0 =	sadd.s32 $0xC280, s18;
	s10 =	sand.u32 $0x1FFFFFF0, s10;
	(pc) =	sbr.rel @p0 .LBB2_2-.Ltmp0, $4  }
0x58: {  	[tilespmem:s0], [sflag:$0x4] =	stream.linear.gather [hbm4b:s2+s3], $0x80, $0x38;
	[tilespmem:$0x18280] =	vst v63  }
0x59: {  	s25 =	sadd.s32 $0x8300, s18;
	s0 =	sadd.s32 $0x300, s18;
	s2 =	sadd.s32 s4, s10;
	v3 =	vld [tilespmem:s21+$0x0]  }
0x5a: {  	[tilespmem:s0], [sflag:$0x1] =	stream.linear.gather [hbm4b:s2+s3], $0x80, $0x38;
	[tilespmem:$0x18280] =	vst v63  }
0x5b: {  	s22 =	sadd.s32 $0x800, s22;
	s26 =	sadd.s32 $0x4300, s18;
	s28 =	spop (v2sf)  }
0x5c: {  	_ = 	snop  }
0x5d: {  	s0 =	sand.u32 $0x1FFFFFF0, s28;
	s2 =	spop (v2sf)  }
0x5e: {  	s0 =	sadd.s32 s4, s0;
	s10 =	spop (v2sf);
	v3 =	vshll.u32 v3, $0x4  }
0x5f: {  	[tilespmem:s26], [sflag:$0x2] =	stream.linear.gather [hbm4b:s0+s3], $0x80, $0x38;
	(v2sf) =	vpush v3, $0x0;
	[tilespmem:$0x18280] =	vst v63  }
0x60: {  	s19 =	sshra.s32 s19, $0x2;
	s2 =	sand.u32 $0x1FFFFFF0, s2;
	s22 =	spop (v2sf);
	(v2sf) =	vpush v3, $0x1  }
0x61: {  	s11 =	sadd.s32 s4, s2;
	s21 =	sand.u32 $0x1FFFFFF0, s10;
	s0 =	sadd.s32 $0x8280, s19;
	(v2sf) =	vpush v3, $0x2  }
0x62: {  	[tilespmem:s25], [sflag:$0x3] =	stream.linear.gather [hbm4b:s11+s3], $0x80, $0x38;
	[tilespmem:$0x18280] =	vst v63  }
0x63: {  	s26 =	sand.u32 $0x1FFFFFF0, s22;
	s22 =	sadd.s32 $0x8380, s18;
	s28 =	spop (v2sf);
	(v2sf) =	vpush v3, $0x3  }
0x64: {  	s25 =	sadd.s32 s4, s21;
	s30 =	sand.u32 $0x1FFFFFF0, s28;
	s31 =	spop (v2sf);
	(v2sf) =	vpush v3, $0x4  }
0x65: {  	[tilespmem:s24], [sflag:$0x4] =	stream.linear.gather [hbm4b:s25+s3], $0x80, $0x38;
	[tilespmem:$0x18280] =	vst v63  }
0x66: {  	s29 =	sadd.s32 s4, s26;
	s2 =	sadd.s32 s4, s30;
	s21 =	spop (v2sf);
	(v2sf) =	vpush v3, $0x5  }
0x67: {  	[tilespmem:s23], [sflag:$0x1] =	stream.linear.gather [hbm4b:s29+s3], $0x80, $0x38;
	[tilespmem:$0x18280] =	vst v63  }
0x68: {  	s25 =	sadd.s32 $0x200, s19;
	s11 =	sand.u32 $0x1FFFFFF0, s31;
	s23 =	sadd.s32 $0xC380, s18;
	(v2sf) =	vpush v3, $0x6  }
0x69: {  	[tilespmem:s20], [sflag:$0x2] =	stream.linear.gather [hbm4b:s2+s3], $0x80, $0x38;
	[tilespmem:$0x18280] =	vst v63  }
0x6a: {  	s18 =	sadd.s32 $0x4380, s19;
	s2 =	sadd.s32 s4, s11;
	s10 =	sand.u32 $0x1FFFFFF0, s21  }
0x6b: {  	[tilespmem:s22], [sflag:$0x3] =	stream.linear.gather [hbm4b:s2+s3], $0x80, $0x38;
	[tilespmem:$0x18280] =	vst v63  }
0x6c: {  	s11 =	sadd.s32 $0x4280, s19;
	s20 =	sadd.s32 $0x4200, s19;
	s24 =	sadd.s32 s4, s10;
	(v2sf) =	vpush v3, $0x7  }
0x6d: {  	[tilespmem:s23], [sflag:$0x4] =	stream.linear.gather [hbm4b:s24+s3], $0x80, $0x38;
	[tilespmem:$0x18280] =	vst v63  }
0x6e: {  	s21 =	sadd.s32 $0x8200, s19;
	s10 =	sadd.s32 $0x280, s19;
	(v2sf) =	vpush v3, $0x8;
	s22 =	spop (v2sf)  }
0x6f: {  	s2 =	sadd.s32 $0xC200, s19;
	s22 =	sand.u32 $0x1FFFFFF0, s22;
	s26 =	spop (v2sf)  }
0x70: {  	s22 =	sadd.s32 s4, s22;
	s24 =	sand.u32 $0x1FFFFFF0, s26;
	s28 =	spop (v2sf)  }
0x71: {  	[tilespmem:s25], [sflag:$0x1] =	stream.linear.gather [hbm4b:s22+s3], $0x80, $0x38;
	[tilespmem:$0x18280] =	vst v63  }
0x72: {  	s29 =	sadd.s32 s4, s24;
	s30 =	sand.u32 $0x1FFFFFF0, s28;
	s31 =	spop (v2sf);
	(v2sf) =	vpush v3, $0x9  }
0x73: {  	s22 =	sadd.s32 s4, s30;
	s23 =	sand.u32 $0x1FFFFFF0, s31;
	s24 =	spop (v2sf)  }
0x74: {  	(v2sf) =	vpush v3, $0xA;
	[tilespmem:s20], [sflag:$0x2] =	stream.linear.gather [hbm4b:s29+s3], $0x80, $0x38;
	[tilespmem:$0x18280] =	vst v63  }
0x75: {  	(v2sf) =	vpush v3, $0xB;
	s25 =	sadd.s32 s4, s23;
	s26 =	sand.u32 $0x1FFFFFF0, s24;
	s28 =	spop (v2sf)  }
0x76: {  	[tilespmem:s21], [sflag:$0x3] =	stream.linear.gather [hbm4b:s22+s3], $0x80, $0x38;
	[tilespmem:$0x18280] =	vst v63  }
0x77: {  	(v2sf) =	vpush v3, $0xC;
	s29 =	sadd.s32 s4, s26;
	s30 =	sand.u32 $0x1FFFFFF0, s28;
	s31 =	spop (v2sf)  }
0x78: {  	[tilespmem:s2], [sflag:$0x4] =	stream.linear.gather [hbm4b:s25+s3], $0x80, $0x38;
	[tilespmem:$0x18280] =	vst v63  }
0x79: {  	s26 =	sadd.s32 $0xC280, s19;
	(v2sf) =	vpush v3, $0xD;
	s20 =	sadd.s32 s4, s30;
	s21 =	sand.u32 $0x1FFFFFF0, s31  }
0x7a: {  	[tilespmem:s10], [sflag:$0x1] =	stream.linear.gather [hbm4b:s29+s3], $0x80, $0x38;
	[tilespmem:$0x18280] =	vst v63  }
0x7b: {  	s22 =	spop (v2sf);
	(v2sf) =	vpush v3, $0xE;
	s30 =	sadd.s32 $0x300, s19;
	s31 =	sadd.s32 $0x8300, s19  }
0x7c: {  	[tilespmem:s11], [sflag:$0x2] =	stream.linear.gather [hbm4b:s20+s3], $0x80, $0x38;
	[tilespmem:$0x18280] =	vst v63  }
0x7d: {  	s23 =	sadd.s32 s4, s21;
	s24 =	sand.u32 $0x1FFFFFF0, s22;
	s25 =	spop (v2sf);
	(v2sf) =	vpush v3, $0xF  }
0x7e: {  	[tilespmem:s0], [sflag:$0x3] =	stream.linear.gather [hbm4b:s23+s3], $0x80, $0x38;
	[tilespmem:$0x18280] =	vst v63  }
0x7f: {  	s2 =	sadd.s32 $0x380, s19;
	s28 =	sadd.s32 s4, s24;
	s29 =	sand.u32 $0x1FFFFFF0, s25  }
0x80: {  	[tilespmem:s26], [sflag:$0x4] =	stream.linear.gather [hbm4b:s28+s3], $0x80, $0x38;
	[tilespmem:$0x18280] =	vst v63  }
0x81: {  	s22 =	sadd.s32 $0x4300, s19;
	s10 =	sadd.s32 s4, s29;
	s21 =	spop (v2sf)  }
0x82: {  	[tilespmem:s30], [sflag:$0x1] =	stream.linear.gather [hbm4b:s10+s3], $0x80, $0x38;
	[tilespmem:$0x18280] =	vst v63  }
0x83: {  	s0 =	sadd.s32 $0xC300, s19;
	s11 =	sand.u32 $0x1FFFFFF0, s21;
	s23 =	spop (v2sf)  }
0x84: {  	s11 =	sadd.s32 s4, s11;
	s21 =	sand.u32 $0x1FFFFFF0, s23;
	s24 =	spop (v2sf)  }
0x85: {  	[tilespmem:s22], [sflag:$0x2] =	stream.linear.gather [hbm4b:s11+s3], $0x80, $0x38;
	[tilespmem:$0x18280] =	vst v63  }
0x86: {  	s25 =	sadd.s32 s4, s21;
	s26 =	sand.u32 $0x1FFFFFF0, s24;
	s28 =	spop (v2sf)  }
0x87: {  	[tilespmem:s31], [sflag:$0x3] =	stream.linear.gather [hbm4b:s25+s3], $0x80, $0x38;
	[tilespmem:$0x18280] =	vst v63  }
0x88: {  	s29 =	sadd.s32 s4, s26;
	s30 =	sand.u32 $0x1FFFFFF0, s28;
	s31 =	spop (v2sf)  }
0x89: {  	[tilespmem:s0], [sflag:$0x4] =	stream.linear.gather [hbm4b:s29+s3], $0x80, $0x38;
	[tilespmem:$0x18280] =	vst v63  }
0x8a: {  	s11 =	sadd.s32 s4, s30;
	s21 =	sand.u32 $0x1FFFFFF0, s31;
	s22 =	spop (v2sf)  }
0x8b: {  	[tilespmem:s2], [sflag:$0x1] =	stream.linear.gather [hbm4b:s11+s3], $0x80, $0x38;
	[tilespmem:$0x18280] =	vst v63  }
0x8c: {  	s23 =	sadd.s32 s4, s21;
	s24 =	sand.u32 $0x1FFFFFF0, s22;
	s25 =	spop (v2sf)  }
0x8d: {  	[tilespmem:s18], [sflag:$0x2] =	stream.linear.gather [hbm4b:s23+s3], $0x80, $0x38;
	[tilespmem:$0x18280] =	vst v63  }
0x8e: {  	s26 =	sadd.s32 $0x8380, s19;
	s10 =	sand.u32 $0x1FFFFFF0, s25;
	s2 =	sadd.s32 s4, s24  }
0x8f: {  	[tilespmem:s26], [sflag:$0x3] =	stream.linear.gather [hbm4b:s2+s3], $0x80, $0x38;
	[tilespmem:$0x18280] =	vst v63  }
0x90: {  	s28 =	sadd.s32 $0xC380, s19;
	s29 =	sadd.s32 s4, s10  }
0x91: {  	[tilespmem:s28], [sflag:$0x4] =	stream.linear.gather [hbm4b:s29+s3], $0x80, $0x38;
	[tilespmem:$0x18280] =	vst v63  }
0x92: {  	s30 =	simm.s32 $0x18200;
	s18 =	simm.s32 $0x0  }
0x93: {  	[tilespmem:s30], [sflag:$0x5] =	stream.linear.gather [hbm4b:s1+s18], $0x8, $0x38;
	[tilespmem:$0x18280] =	vst v63  }
0x94: {  	_ =	swait.ge [sflag:s9], $0x8  }
0x95: {  	[sflag:s9] =	ssyncset.done $0x0  }
0x96: {  	s31 =	simm.s32 $0x18208;
	[sflag:s9] =	ssyncadd.s32 $0xFFFFFFF8  }
0x97: {  	[tilespmem:s31], [sflag:$0x5] =	stream.linear.gather [hbm4b:s1+s18], $0x8, $0x38;
	[tilespmem:$0x18280] =	vst v63  }
0x98: {  	_ =	swait.ge [sflag:s9], $0x8  }
0x99: {  	[sflag:s9] =	ssyncset.done $0x0  }
0x9a: {  	[sflag:s9] =	ssyncadd.s32 $0xFFFFFFF8  }
0x9b: {  	v3 =	vld [tilespmem:$0x18200];
	_ =	swait.ge [sflag:s12], $0x4000  }
0x9c: {  	[sflag:s12] =	ssyncset.done $0x0  }
0x9d: {  	[sflag:s12] =	ssyncadd.s32 $0xFFFFC000  }
0x9e: {  	_ =	swait.ge [sflag:s13], $0x4000  }
0x9f: {  	[sflag:s13] =	ssyncset.done $0x0  }
0xa0: {  	[sflag:s13] =	ssyncadd.s32 $0xFFFFC000  }
0xa1: {  	_ =	swait.ge [sflag:s14], $0x4000  }
0xa2: {  	[sflag:s14] =	ssyncset.done $0x0  }
0xa3: {  	[sflag:s14] =	ssyncadd.s32 $0xFFFFC000  }
0xa4: {  	_ =	swait.ge [sflag:s15], $0x4000  }
0xa5: {  	[sflag:s15] =	ssyncset.done $0x0  }
0xa6: {  	[sflag:s15] =	ssyncadd.s32 $0xFFFFC000  }
.LBB2_4:
0xa7: {  	v4 =	vmov s18  }
0xa8: {  	v4 =	vshll.u32 v4, $0x7  }
0xa9: {  	v4 =	vor.u32 v0, v4  }
0xaa: {  	p0 =	sne.s32 s18, $0xFE;
	v4 =	vor.u32 v1, v4  }
.Ltmp1:
0xab: {  	_ = 	snop;
	(pc) =	sbr.rel @p0 .LBB2_4-.Ltmp1, $2  }
0xac: {  	_ =	sdelay $0x2  }
0xad: {  	s18 =	sadd.s32 $0x2, s18;
	[tilespmem:v4+s16+$0x0] =	vst.idx.msk $0xffff, v3  }
0xae: {  	s0 =	simm.s32 $0x220  }
0xaf: {  	v4 =	vld [tilespmem:s0+$0xFFFFFFE0];
	_ =	sdelay $0x3  }
0xb0: {  	s2 =	simm.s32 $0x10220;
	s20 =	simm.s32 $0x2A0  }
0xb1: {  	[tilespmem:s2+$0xFFFFFFE0] =	vst v4;
	v4 =	vld [tilespmem:s20+$0xFFFFFFE0]  }
0xb2: {  	v5 =	vld [tilespmem:s0+$0xFFFFFFF0];
	_ =	sdelay $0x2  }
0xb3: {  	s21 =	simm.s32 $0x10420;
	s18 =	simm.s32 $0x320  }
0xb4: {  	[tilespmem:s21+$0xFFFFFFE0] =	vst v4;
	v4 =	vld [tilespmem:s18+$0xFFFFFFE0]  }
0xb5: {  	[tilespmem:s2+$0xFFFFFFF0] =	vst v5;
	v5 =	vld [tilespmem:s20+$0xFFFFFFF0]  }
0xb6: {  	v7 =	vld [tilespmem:s0+$0x0];
	_ =	sdelay $0x1  }
0xb7: {  	s19 =	simm.s32 $0x3A0;
	s22 =	simm.s32 $0x10620  }
0xb8: {  	v8 =	vld [tilespmem:s19+$0xFFFFFFE0];
	[tilespmem:s22+$0xFFFFFFE0] =	vst v4  }
0xb9: {  	[tilespmem:s21+$0xFFFFFFF0] =	vst v5;
	v6 =	vld [tilespmem:s18+$0xFFFFFFF0]  }
0xba: {  	s31 =	simm.s32 $0x0;
	[tilespmem:s2+$0x0] =	vst v7;
	v7 =	vld [tilespmem:s20+$0x0]  }
0xbb: {  	v5 =	vor.u32 s31, v2;
	v4 =	vld [tilespmem:s0+$0x8]  }
0xbc: {  	s25 =	simm.s32 $0x4;
	s23 =	simm.s32 $0x8;
	s24 =	simm.s32 $0x10820  }
0xbd: {  	s26 =	simm.s32 $0xC;
	s28 =	simm.s32 $0x10;
	s29 =	simm.s32 $0x420;
	[tilespmem:s24+$0xFFFFFFE0] =	vst v8  }
.LBB2_6:
0xbe: {  	v8 =	vld [tilespmem:s29+$0xFFFFFFE0];
	[tilespmem:s22+$0xFFFFFFF0] =	vst v6;
	p0 =	sne.s32 s28, $0xFC  }
.Ltmp2:
0xbf: {  	v6 =	vld [tilespmem:s19+$0xFFFFFFF0];
	[tilespmem:s21+$0x0] =	vst v7;
	s21 =	smov.u32 s22;
	s22 =	smov.u32 s24;
	(pc) =	sbr.rel @p0 .LBB2_6-.Ltmp2, $4  }
0xc0: {  	s0 =	sshll.u32 s25, $0x7;
	s25 =	smov.u32 s23;
	s23 =	smov.u32 s26;
	v7 =	vld [tilespmem:s18+$0x0];
	[tilespmem:v5+s16+$0x0] =	vst.idx.msk vm0, v4  }
0xc1: {  	s26 =	smov.u32 s28;
	s28 =	sadd.s32 $0x4, s28;
	v5 =	vor.u32 s0, v2;
	v4 =	vld [tilespmem:s20+$0x8]  }
0xc2: {  	s24 =	sadd.s32 $0x200, s24;
	s20 =	smov.u32 s18;
	s18 =	smov.u32 s19  }
0xc3: {  	s19 =	smov.u32 s29;
	s29 =	sadd.s32 $0x80, s29;
	[tilespmem:s24+$0xFFFFFFE0] =	vst v8  }
0xc4: {  	v8 =	vld [tilespmem:s19+$0xFFFFFFF0];
	_ =	sdelay $0x3  }
0xc5: {  	[tilespmem:s22+$0xFFFFFFF0] =	vst v6  }
0xc6: {  	v6 =	vld [tilespmem:s18+$0x0];
	[tilespmem:s24+$0xFFFFFFF0] =	vst v8  }
0xc7: {  	v8 =	vld [tilespmem:s19+$0x0];
	_ =	sdelay $0x2  }
0xc8: {  	s0 =	sshll.u32 s25, $0x7;
	[tilespmem:s21+$0x0] =	vst v7  }
0xc9: {  	s25 =	sshll.u32 s23, $0x7;
	v9 =	vor.u32 s0, v2;
	v7 =	vld [tilespmem:s20+$0x8];
	[tilespmem:s22+$0x0] =	vst v6  }
0xca: {  	s26 =	sshll.u32 s26, $0x7;
	v10 =	vor.u32 s25, v2;
	v6 =	vld [tilespmem:s18+$0x8];
	[tilespmem:s24+$0x0] =	vst v8  }
0xcb: {  	v11 =	vor.u32 s26, v2;
	v8 =	vld [tilespmem:s19+$0x8];
	_ =	sdelay $0x1  }
0xcc: {  	[tilespmem:v5+s16+$0x0] =	vst.idx.msk vm0, v4  }
0xcd: {  	[tilespmem:v9+s16+$0x0] =	vst.idx.msk vm0, v7  }
0xce: {  	[tilespmem:v10+s16+$0x0] =	vst.idx.msk vm0, v6  }
0xcf: {  	s30 =	simm.s32 $0x4220;
	[tilespmem:v11+s16+$0x0] =	vst.idx.msk vm0, v8  }
0xd0: {  	v4 =	vld [tilespmem:s30+$0xFFFFFFE0];
	_ =	sdelay $0x3  }
0xd1: {  	s2 =	simm.s32 $0x102A0;
	s20 =	simm.s32 $0x42A0  }
0xd2: {  	[tilespmem:s2+$0xFFFFFFE0] =	vst v4;
	v4 =	vld [tilespmem:s20+$0xFFFFFFE0]  }
0xd3: {  	v5 =	vld [tilespmem:s30+$0xFFFFFFF0];
	_ =	sdelay $0x2  }
0xd4: {  	s21 =	simm.s32 $0x104A0;
	s18 =	simm.s32 $0x4320  }
0xd5: {  	[tilespmem:s21+$0xFFFFFFE0] =	vst v4;
	v4 =	vld [tilespmem:s18+$0xFFFFFFE0]  }
0xd6: {  	[tilespmem:s2+$0xFFFFFFF0] =	vst v5;
	v5 =	vld [tilespmem:s20+$0xFFFFFFF0]  }
0xd7: {  	v7 =	vld [tilespmem:s30+$0x0];
	_ =	sdelay $0x1  }
0xd8: {  	s22 =	simm.s32 $0x106A0;
	s19 =	simm.s32 $0x43A0  }
0xd9: {  	v8 =	vld [tilespmem:s19+$0xFFFFFFE0];
	[tilespmem:s22+$0xFFFFFFE0] =	vst v4  }
0xda: {  	[tilespmem:s21+$0xFFFFFFF0] =	vst v5;
	v6 =	vld [tilespmem:s18+$0xFFFFFFF0]  }
0xdb: {  	s31 =	simm.s32 $0x80;
	[tilespmem:s2+$0x0] =	vst v7;
	v7 =	vld [tilespmem:s20+$0x0]  }
0xdc: {  	v5 =	vor.u32 s31, v2;
	v4 =	vld [tilespmem:s30+$0x8]  }
0xdd: {  	s23 =	simm.s32 $0x9;
	s28 =	simm.s32 $0x11;
	s24 =	simm.s32 $0x108A0  }
0xde: {  	s29 =	simm.s32 $0x4420;
	s25 =	simm.s32 $0x5;
	s26 =	simm.s32 $0xD;
	[tilespmem:s24+$0xFFFFFFE0] =	vst v8  }
.LBB2_8:
0xdf: {  	v8 =	vld [tilespmem:s29+$0xFFFFFFE0];
	[tilespmem:s22+$0xFFFFFFF0] =	vst v6;
	p0 =	sne.s32 s28, $0xFD  }
.Ltmp3:
0xe0: {  	v6 =	vld [tilespmem:s19+$0xFFFFFFF0];
	[tilespmem:s21+$0x0] =	vst v7;
	s21 =	smov.u32 s22;
	s22 =	smov.u32 s24;
	(pc) =	sbr.rel @p0 .LBB2_8-.Ltmp3, $4  }
0xe1: {  	s0 =	sshll.u32 s25, $0x7;
	s25 =	smov.u32 s23;
	s23 =	smov.u32 s26;
	v7 =	vld [tilespmem:s18+$0x0];
	[tilespmem:v5+s16+$0x0] =	vst.idx.msk vm0, v4  }
0xe2: {  	s26 =	smov.u32 s28;
	s28 =	sadd.s32 $0x4, s28;
	v5 =	vor.u32 s0, v2;
	v4 =	vld [tilespmem:s20+$0x8]  }
0xe3: {  	s24 =	sadd.s32 $0x200, s24;
	s20 =	smov.u32 s18;
	s18 =	smov.u32 s19  }
0xe4: {  	s19 =	smov.u32 s29;
	s29 =	sadd.s32 $0x80, s29;
	[tilespmem:s24+$0xFFFFFFE0] =	vst v8  }
0xe5: {  	v8 =	vld [tilespmem:s19+$0xFFFFFFF0];
	_ =	sdelay $0x3  }
0xe6: {  	[tilespmem:s22+$0xFFFFFFF0] =	vst v6  }
0xe7: {  	v6 =	vld [tilespmem:s18+$0x0];
	[tilespmem:s24+$0xFFFFFFF0] =	vst v8  }
0xe8: {  	v8 =	vld [tilespmem:s19+$0x0];
	_ =	sdelay $0x2  }
0xe9: {  	s0 =	sshll.u32 s25, $0x7;
	[tilespmem:s21+$0x0] =	vst v7  }
0xea: {  	s25 =	sshll.u32 s23, $0x7;
	v9 =	vor.u32 s0, v2;
	v7 =	vld [tilespmem:s20+$0x8];
	[tilespmem:s22+$0x0] =	vst v6  }
0xeb: {  	s26 =	sshll.u32 s26, $0x7;
	v10 =	vor.u32 s25, v2;
	v6 =	vld [tilespmem:s18+$0x8];
	[tilespmem:s24+$0x0] =	vst v8  }
0xec: {  	v11 =	vor.u32 s26, v2;
	v8 =	vld [tilespmem:s19+$0x8];
	_ =	sdelay $0x1  }
0xed: {  	[tilespmem:v5+s16+$0x0] =	vst.idx.msk vm0, v4  }
0xee: {  	[tilespmem:v9+s16+$0x0] =	vst.idx.msk vm0, v7  }
0xef: {  	[tilespmem:v10+s16+$0x0] =	vst.idx.msk vm0, v6  }
0xf0: {  	s30 =	simm.s32 $0x8220;
	[tilespmem:v11+s16+$0x0] =	vst.idx.msk vm0, v8  }
0xf1: {  	v4 =	vld [tilespmem:s30+$0xFFFFFFE0];
	_ =	sdelay $0x3  }
0xf2: {  	s2 =	simm.s32 $0x10320;
	s20 =	simm.s32 $0x82A0  }
0xf3: {  	[tilespmem:s2+$0xFFFFFFE0] =	vst v4;
	v4 =	vld [tilespmem:s20+$0xFFFFFFE0]  }
0xf4: {  	v5 =	vld [tilespmem:s30+$0xFFFFFFF0];
	_ =	sdelay $0x2  }
0xf5: {  	s21 =	simm.s32 $0x10520;
	s18 =	simm.s32 $0x8320  }
0xf6: {  	[tilespmem:s21+$0xFFFFFFE0] =	vst v4;
	v4 =	vld [tilespmem:s18+$0xFFFFFFE0]  }
0xf7: {  	[tilespmem:s2+$0xFFFFFFF0] =	vst v5;
	v5 =	vld [tilespmem:s20+$0xFFFFFFF0]  }
0xf8: {  	v7 =	vld [tilespmem:s30+$0x0];
	_ =	sdelay $0x1  }
0xf9: {  	s22 =	simm.s32 $0x10720;
	s19 =	simm.s32 $0x83A0  }
0xfa: {  	v8 =	vld [tilespmem:s19+$0xFFFFFFE0];
	[tilespmem:s22+$0xFFFFFFE0] =	vst v4  }
0xfb: {  	[tilespmem:s21+$0xFFFFFFF0] =	vst v5;
	v6 =	vld [tilespmem:s18+$0xFFFFFFF0]  }
0xfc: {  	s31 =	simm.s32 $0x100;
	[tilespmem:s2+$0x0] =	vst v7;
	v7 =	vld [tilespmem:s20+$0x0]  }
0xfd: {  	v5 =	vor.u32 s31, v2;
	v4 =	vld [tilespmem:s30+$0x8]  }
0xfe: {  	s23 =	simm.s32 $0xA;
	s28 =	simm.s32 $0x12;
	s24 =	simm.s32 $0x10920  }
0xff: {  	s29 =	simm.s32 $0x8420;
	s25 =	simm.s32 $0x6;
	s26 =	simm.s32 $0xE;
	[tilespmem:s24+$0xFFFFFFE0] =	vst v8  }
.LBB2_10:
0x100: {  	v8 =	vld [tilespmem:s29+$0xFFFFFFE0];
	[tilespmem:s22+$0xFFFFFFF0] =	vst v6;
	p0 =	sne.s32 s28, $0xFE  }
.Ltmp4:
0x101: {  	v6 =	vld [tilespmem:s19+$0xFFFFFFF0];
	[tilespmem:s21+$0x0] =	vst v7;
	s21 =	smov.u32 s22;
	s22 =	smov.u32 s24;
	(pc) =	sbr.rel @p0 .LBB2_10-.Ltmp4, $4  }
0x102: {  	s0 =	sshll.u32 s25, $0x7;
	s25 =	smov.u32 s23;
	s23 =	smov.u32 s26;
	v7 =	vld [tilespmem:s18+$0x0];
	[tilespmem:v5+s16+$0x0] =	vst.idx.msk vm0, v4  }
0x103: {  	s26 =	smov.u32 s28;
	s28 =	sadd.s32 $0x4, s28;
	v5 =	vor.u32 s0, v2;
	v4 =	vld [tilespmem:s20+$0x8]  }
0x104: {  	s24 =	sadd.s32 $0x200, s24;
	s20 =	smov.u32 s18;
	s18 =	smov.u32 s19  }
0x105: {  	s19 =	smov.u32 s29;
	s29 =	sadd.s32 $0x80, s29;
	[tilespmem:s24+$0xFFFFFFE0] =	vst v8  }
0x106: {  	v8 =	vld [tilespmem:s19+$0xFFFFFFF0];
	_ =	sdelay $0x3  }
0x107: {  	[tilespmem:s22+$0xFFFFFFF0] =	vst v6  }
0x108: {  	v6 =	vld [tilespmem:s18+$0x0];
	[tilespmem:s24+$0xFFFFFFF0] =	vst v8  }
0x109: {  	v8 =	vld [tilespmem:s19+$0x0];
	_ =	sdelay $0x2  }
0x10a: {  	s0 =	sshll.u32 s25, $0x7;
	[tilespmem:s21+$0x0] =	vst v7  }
0x10b: {  	s25 =	sshll.u32 s23, $0x7;
	v9 =	vor.u32 s0, v2;
	v7 =	vld [tilespmem:s20+$0x8];
	[tilespmem:s22+$0x0] =	vst v6  }
0x10c: {  	s26 =	sshll.u32 s26, $0x7;
	v10 =	vor.u32 s25, v2;
	v6 =	vld [tilespmem:s18+$0x8];
	[tilespmem:s24+$0x0] =	vst v8  }
0x10d: {  	v11 =	vor.u32 s26, v2;
	v8 =	vld [tilespmem:s19+$0x8];
	_ =	sdelay $0x1  }
0x10e: {  	[tilespmem:v5+s16+$0x0] =	vst.idx.msk vm0, v4  }
0x10f: {  	[tilespmem:v9+s16+$0x0] =	vst.idx.msk vm0, v7  }
0x110: {  	[tilespmem:v10+s16+$0x0] =	vst.idx.msk vm0, v6  }
0x111: {  	s30 =	simm.s32 $0xC220;
	[tilespmem:v11+s16+$0x0] =	vst.idx.msk vm0, v8  }
0x112: {  	v4 =	vld [tilespmem:s30+$0xFFFFFFE0];
	_ =	sdelay $0x3  }
0x113: {  	s2 =	simm.s32 $0x103A0;
	s20 =	simm.s32 $0xC2A0  }
0x114: {  	[tilespmem:s2+$0xFFFFFFE0] =	vst v4;
	v4 =	vld [tilespmem:s20+$0xFFFFFFE0]  }
0x115: {  	v5 =	vld [tilespmem:s30+$0xFFFFFFF0];
	_ =	sdelay $0x2  }
0x116: {  	s21 =	simm.s32 $0x105A0;
	s18 =	simm.s32 $0xC320  }
0x117: {  	[tilespmem:s21+$0xFFFFFFE0] =	vst v4;
	v4 =	vld [tilespmem:s18+$0xFFFFFFE0]  }
0x118: {  	[tilespmem:s2+$0xFFFFFFF0] =	vst v5;
	v5 =	vld [tilespmem:s20+$0xFFFFFFF0]  }
0x119: {  	v7 =	vld [tilespmem:s30+$0x0];
	_ =	sdelay $0x1  }
0x11a: {  	s22 =	simm.s32 $0x107A0;
	s19 =	simm.s32 $0xC3A0  }
0x11b: {  	v8 =	vld [tilespmem:s19+$0xFFFFFFE0];
	[tilespmem:s22+$0xFFFFFFE0] =	vst v4  }
0x11c: {  	[tilespmem:s21+$0xFFFFFFF0] =	vst v5;
	v6 =	vld [tilespmem:s18+$0xFFFFFFF0]  }
0x11d: {  	s31 =	simm.s32 $0x180;
	[tilespmem:s2+$0x0] =	vst v7;
	v7 =	vld [tilespmem:s20+$0x0]  }
0x11e: {  	v5 =	vor.u32 s31, v2;
	v4 =	vld [tilespmem:s30+$0x8]  }
0x11f: {  	s23 =	simm.s32 $0xB;
	s28 =	simm.s32 $0x13;
	s24 =	simm.s32 $0x109A0  }
0x120: {  	s29 =	simm.s32 $0xC420;
	s25 =	simm.s32 $0x7;
	s26 =	simm.s32 $0xF;
	[tilespmem:s24+$0xFFFFFFE0] =	vst v8  }
.LBB2_12:
0x121: {  	v8 =	vld [tilespmem:s29+$0xFFFFFFE0];
	[tilespmem:s22+$0xFFFFFFF0] =	vst v6;
	p0 =	sne.s32 s28, $0xFF  }
.Ltmp5:
0x122: {  	v6 =	vld [tilespmem:s19+$0xFFFFFFF0];
	[tilespmem:s21+$0x0] =	vst v7;
	s21 =	smov.u32 s22;
	s22 =	smov.u32 s24;
	(pc) =	sbr.rel @p0 .LBB2_12-.Ltmp5, $4  }
0x123: {  	s0 =	sshll.u32 s25, $0x7;
	s25 =	smov.u32 s23;
	s23 =	smov.u32 s26;
	v7 =	vld [tilespmem:s18+$0x0];
	[tilespmem:v5+s16+$0x0] =	vst.idx.msk vm0, v4  }
0x124: {  	s26 =	smov.u32 s28;
	s28 =	sadd.s32 $0x4, s28;
	v5 =	vor.u32 s0, v2;
	v4 =	vld [tilespmem:s20+$0x8]  }
0x125: {  	s24 =	sadd.s32 $0x200, s24;
	s20 =	smov.u32 s18;
	s18 =	smov.u32 s19  }
0x126: {  	s19 =	smov.u32 s29;
	s29 =	sadd.s32 $0x80, s29;
	[tilespmem:s24+$0xFFFFFFE0] =	vst v8  }
0x127: {  	v8 =	vld [tilespmem:s19+$0xFFFFFFF0];
	_ =	sdelay $0x3  }
0x128: {  	[tilespmem:s22+$0xFFFFFFF0] =	vst v6  }
0x129: {  	v6 =	vld [tilespmem:s18+$0x0];
	[tilespmem:s24+$0xFFFFFFF0] =	vst v8  }
0x12a: {  	v8 =	vld [tilespmem:s19+$0x0];
	_ =	sdelay $0x2  }
0x12b: {  	s0 =	sshll.u32 s25, $0x7;
	[tilespmem:s21+$0x0] =	vst v7  }
0x12c: {  	s30 =	sshll.u32 s23, $0x7;
	v9 =	vor.u32 s0, v2;
	v7 =	vld [tilespmem:s20+$0x8];
	[tilespmem:s22+$0x0] =	vst v6  }
0x12d: {  	s31 =	sshll.u32 s26, $0x7;
	v10 =	vor.u32 s30, v2;
	v6 =	vld [tilespmem:s18+$0x8];
	[tilespmem:s24+$0x0] =	vst v8  }
0x12e: {  	v11 =	vor.u32 s31, v2;
	v8 =	vld [tilespmem:s19+$0x8];
	_ =	sdelay $0x1  }
0x12f: {  	[tilespmem:v5+s16+$0x0] =	vst.idx.msk vm0, v4  }
0x130: {  	[tilespmem:v9+s16+$0x0] =	vst.idx.msk vm0, v7  }
0x131: {  	[tilespmem:v10+s16+$0x0] =	vst.idx.msk vm0, v6  }
0x132: {  	s18 =	simm.s32 $0x0;
	[tilespmem:v11+s16+$0x0] =	vst.idx.msk vm0, v8  }
0x133: {  	[hbm4b:s6+s18] =	stream.linear.scatter [tilespmem:s16], [sflag:$0x5], $0x8000, $0x38;
	[tilespmem:$0x18280] =	vst v63  }
0x134: {  	_ =	swait.ge [sflag:s9], $0x8000  }
0x135: {  	[sflag:s9] =	ssyncset.done $0x0  }
0x136: {  	[sflag:s9] =	ssyncadd.s32 $0xFFFF8000  }
.LBB2_14:
0x137: {  	v4 =	vmov s18  }
0x138: {  	v4 =	vshll.u32 v4, $0x7  }
0x139: {  	v4 =	vor.u32 v0, v4  }
0x13a: {  	p0 =	sne.s32 s18, $0xFE;
	v4 =	vor.u32 v1, v4  }
.Ltmp6:
0x13b: {  	_ = 	snop;
	(pc) =	sbr.rel @p0 .LBB2_14-.Ltmp6, $2  }
0x13c: {  	_ =	sdelay $0x2  }
0x13d: {  	s18 =	sadd.s32 $0x2, s18;
	[tilespmem:v4+s16+$0x0] =	vst.idx.msk $0xffff, v3  }
0x13e: {  	s0 =	simm.s32 $0x2228  }
0x13f: {  	v3 =	vld [tilespmem:s0+$0xFFFFFFD8];
	_ =	sdelay $0x3  }
0x140: {  	s2 =	simm.s32 $0x10220;
	s20 =	simm.s32 $0x22A8  }
0x141: {  	[tilespmem:s2+$0xFFFFFFE0] =	vst v3;
	v3 =	vld [tilespmem:s20+$0xFFFFFFD8]  }
0x142: {  	v4 =	vld [tilespmem:s0+$0xFFFFFFE8];
	_ =	sdelay $0x2  }
0x143: {  	s21 =	simm.s32 $0x10420;
	s18 =	simm.s32 $0x2328  }
0x144: {  	[tilespmem:s21+$0xFFFFFFE0] =	vst v3;
	v3 =	vld [tilespmem:s18+$0xFFFFFFD8]  }
0x145: {  	[tilespmem:s2+$0xFFFFFFF0] =	vst v4;
	v4 =	vld [tilespmem:s20+$0xFFFFFFE8]  }
0x146: {  	v6 =	vld [tilespmem:s0+$0xFFFFFFF8];
	_ =	sdelay $0x1  }
0x147: {  	s19 =	simm.s32 $0x23A8;
	s22 =	simm.s32 $0x10620  }
0x148: {  	v7 =	vld [tilespmem:s19+$0xFFFFFFD8];
	[tilespmem:s22+$0xFFFFFFE0] =	vst v3  }
0x149: {  	[tilespmem:s21+$0xFFFFFFF0] =	vst v4;
	v5 =	vld [tilespmem:s18+$0xFFFFFFE8]  }
0x14a: {  	s31 =	simm.s32 $0x0;
	[tilespmem:s2+$0x0] =	vst v6;
	v6 =	vld [tilespmem:s20+$0xFFFFFFF8]  }
0x14b: {  	v4 =	vor.u32 s31, v2;
	v3 =	vld [tilespmem:s0+$0x0]  }
0x14c: {  	s25 =	simm.s32 $0x4;
	s23 =	simm.s32 $0x8;
	s24 =	simm.s32 $0x10820  }
0x14d: {  	s26 =	simm.s32 $0xC;
	s28 =	simm.s32 $0x10;
	s29 =	simm.s32 $0x2428;
	[tilespmem:s24+$0xFFFFFFE0] =	vst v7  }
.LBB2_16:
0x14e: {  	v7 =	vld [tilespmem:s29+$0xFFFFFFD8];
	[tilespmem:s22+$0xFFFFFFF0] =	vst v5;
	p0 =	sne.s32 s28, $0xFC  }
.Ltmp7:
0x14f: {  	v5 =	vld [tilespmem:s19+$0xFFFFFFE8];
	[tilespmem:s21+$0x0] =	vst v6;
	s21 =	smov.u32 s22;
	s22 =	smov.u32 s24;
	(pc) =	sbr.rel @p0 .LBB2_16-.Ltmp7, $4  }
0x150: {  	s0 =	sshll.u32 s25, $0x7;
	s25 =	smov.u32 s23;
	s23 =	smov.u32 s26;
	v6 =	vld [tilespmem:s18+$0xFFFFFFF8];
	[tilespmem:v4+s16+$0x0] =	vst.idx.msk vm0, v3  }
0x151: {  	s26 =	smov.u32 s28;
	s28 =	sadd.s32 $0x4, s28;
	v4 =	vor.u32 s0, v2;
	v3 =	vld [tilespmem:s20+$0x0]  }
0x152: {  	s24 =	sadd.s32 $0x200, s24;
	s20 =	smov.u32 s18;
	s18 =	smov.u32 s19  }
0x153: {  	s19 =	smov.u32 s29;
	s29 =	sadd.s32 $0x80, s29;
	[tilespmem:s24+$0xFFFFFFE0] =	vst v7  }
0x154: {  	v7 =	vld [tilespmem:s19+$0xFFFFFFE8];
	_ =	sdelay $0x3  }
0x155: {  	[tilespmem:s22+$0xFFFFFFF0] =	vst v5  }
0x156: {  	v5 =	vld [tilespmem:s18+$0xFFFFFFF8];
	[tilespmem:s24+$0xFFFFFFF0] =	vst v7  }
0x157: {  	v7 =	vld [tilespmem:s19+$0xFFFFFFF8];
	_ =	sdelay $0x2  }
0x158: {  	s0 =	sshll.u32 s25, $0x7;
	[tilespmem:s21+$0x0] =	vst v6  }
0x159: {  	s25 =	sshll.u32 s23, $0x7;
	v8 =	vor.u32 s0, v2;
	v6 =	vld [tilespmem:s20+$0x0];
	[tilespmem:s22+$0x0] =	vst v5  }
0x15a: {  	s26 =	sshll.u32 s26, $0x7;
	v9 =	vor.u32 s25, v2;
	v5 =	vld [tilespmem:s18+$0x0];
	[tilespmem:s24+$0x0] =	vst v7  }
0x15b: {  	v10 =	vor.u32 s26, v2;
	v7 =	vld [tilespmem:s19+$0x0];
	_ =	sdelay $0x1  }
0x15c: {  	[tilespmem:v4+s16+$0x0] =	vst.idx.msk vm0, v3  }
0x15d: {  	[tilespmem:v8+s16+$0x0] =	vst.idx.msk vm0, v6  }
0x15e: {  	[tilespmem:v9+s16+$0x0] =	vst.idx.msk vm0, v5  }
0x15f: {  	s30 =	simm.s32 $0x6228;
	[tilespmem:v10+s16+$0x0] =	vst.idx.msk vm0, v7  }
0x160: {  	v3 =	vld [tilespmem:s30+$0xFFFFFFD8];
	_ =	sdelay $0x3  }
0x161: {  	s2 =	simm.s32 $0x102A0;
	s20 =	simm.s32 $0x62A8  }
0x162: {  	[tilespmem:s2+$0xFFFFFFE0] =	vst v3;
	v3 =	vld [tilespmem:s20+$0xFFFFFFD8]  }
0x163: {  	v4 =	vld [tilespmem:s30+$0xFFFFFFE8];
	_ =	sdelay $0x2  }
0x164: {  	s21 =	simm.s32 $0x104A0;
	s18 =	simm.s32 $0x6328  }
0x165: {  	[tilespmem:s21+$0xFFFFFFE0] =	vst v3;
	v3 =	vld [tilespmem:s18+$0xFFFFFFD8]  }
0x166: {  	[tilespmem:s2+$0xFFFFFFF0] =	vst v4;
	v4 =	vld [tilespmem:s20+$0xFFFFFFE8]  }
0x167: {  	v6 =	vld [tilespmem:s30+$0xFFFFFFF8];
	_ =	sdelay $0x1  }
0x168: {  	s22 =	simm.s32 $0x106A0;
	s19 =	simm.s32 $0x63A8  }
0x169: {  	v7 =	vld [tilespmem:s19+$0xFFFFFFD8];
	[tilespmem:s22+$0xFFFFFFE0] =	vst v3  }
0x16a: {  	[tilespmem:s21+$0xFFFFFFF0] =	vst v4;
	v5 =	vld [tilespmem:s18+$0xFFFFFFE8]  }
0x16b: {  	s31 =	simm.s32 $0x80;
	[tilespmem:s2+$0x0] =	vst v6;
	v6 =	vld [tilespmem:s20+$0xFFFFFFF8]  }
0x16c: {  	v4 =	vor.u32 s31, v2;
	v3 =	vld [tilespmem:s30+$0x0]  }
0x16d: {  	s23 =	simm.s32 $0x9;
	s28 =	simm.s32 $0x11;
	s24 =	simm.s32 $0x108A0  }
0x16e: {  	s29 =	simm.s32 $0x6428;
	s25 =	simm.s32 $0x5;
	s26 =	simm.s32 $0xD;
	[tilespmem:s24+$0xFFFFFFE0] =	vst v7  }
.LBB2_18:
0x16f: {  	v7 =	vld [tilespmem:s29+$0xFFFFFFD8];
	[tilespmem:s22+$0xFFFFFFF0] =	vst v5;
	p0 =	sne.s32 s28, $0xFD  }
.Ltmp8:
0x170: {  	v5 =	vld [tilespmem:s19+$0xFFFFFFE8];
	[tilespmem:s21+$0x0] =	vst v6;
	s21 =	smov.u32 s22;
	s22 =	smov.u32 s24;
	(pc) =	sbr.rel @p0 .LBB2_18-.Ltmp8, $4  }
0x171: {  	s0 =	sshll.u32 s25, $0x7;
	s25 =	smov.u32 s23;
	s23 =	smov.u32 s26;
	v6 =	vld [tilespmem:s18+$0xFFFFFFF8];
	[tilespmem:v4+s16+$0x0] =	vst.idx.msk vm0, v3  }
0x172: {  	s26 =	smov.u32 s28;
	s28 =	sadd.s32 $0x4, s28;
	v4 =	vor.u32 s0, v2;
	v3 =	vld [tilespmem:s20+$0x0]  }
0x173: {  	s24 =	sadd.s32 $0x200, s24;
	s20 =	smov.u32 s18;
	s18 =	smov.u32 s19  }
0x174: {  	s19 =	smov.u32 s29;
	s29 =	sadd.s32 $0x80, s29;
	[tilespmem:s24+$0xFFFFFFE0] =	vst v7  }
0x175: {  	v7 =	vld [tilespmem:s19+$0xFFFFFFE8];
	_ =	sdelay $0x3  }
0x176: {  	[tilespmem:s22+$0xFFFFFFF0] =	vst v5  }
0x177: {  	v5 =	vld [tilespmem:s18+$0xFFFFFFF8];
	[tilespmem:s24+$0xFFFFFFF0] =	vst v7  }
0x178: {  	v7 =	vld [tilespmem:s19+$0xFFFFFFF8];
	_ =	sdelay $0x2  }
0x179: {  	s0 =	sshll.u32 s25, $0x7;
	[tilespmem:s21+$0x0] =	vst v6  }
0x17a: {  	s25 =	sshll.u32 s23, $0x7;
	v8 =	vor.u32 s0, v2;
	v6 =	vld [tilespmem:s20+$0x0];
	[tilespmem:s22+$0x0] =	vst v5  }
0x17b: {  	s26 =	sshll.u32 s26, $0x7;
	v9 =	vor.u32 s25, v2;
	v5 =	vld [tilespmem:s18+$0x0];
	[tilespmem:s24+$0x0] =	vst v7  }
0x17c: {  	v10 =	vor.u32 s26, v2;
	v7 =	vld [tilespmem:s19+$0x0];
	_ =	sdelay $0x1  }
0x17d: {  	[tilespmem:v4+s16+$0x0] =	vst.idx.msk vm0, v3  }
0x17e: {  	[tilespmem:v8+s16+$0x0] =	vst.idx.msk vm0, v6  }
0x17f: {  	[tilespmem:v9+s16+$0x0] =	vst.idx.msk vm0, v5  }
0x180: {  	s30 =	simm.s32 $0xA228;
	[tilespmem:v10+s16+$0x0] =	vst.idx.msk vm0, v7  }
0x181: {  	v3 =	vld [tilespmem:s30+$0xFFFFFFD8];
	_ =	sdelay $0x3  }
0x182: {  	s2 =	simm.s32 $0x10320;
	s20 =	simm.s32 $0xA2A8  }
0x183: {  	[tilespmem:s2+$0xFFFFFFE0] =	vst v3;
	v3 =	vld [tilespmem:s20+$0xFFFFFFD8]  }
0x184: {  	v4 =	vld [tilespmem:s30+$0xFFFFFFE8];
	_ =	sdelay $0x2  }
0x185: {  	s21 =	simm.s32 $0x10520;
	s18 =	simm.s32 $0xA328  }
0x186: {  	[tilespmem:s21+$0xFFFFFFE0] =	vst v3;
	v3 =	vld [tilespmem:s18+$0xFFFFFFD8]  }
0x187: {  	[tilespmem:s2+$0xFFFFFFF0] =	vst v4;
	v4 =	vld [tilespmem:s20+$0xFFFFFFE8]  }
0x188: {  	v6 =	vld [tilespmem:s30+$0xFFFFFFF8];
	_ =	sdelay $0x1  }
0x189: {  	s22 =	simm.s32 $0x10720;
	s19 =	simm.s32 $0xA3A8  }
0x18a: {  	v7 =	vld [tilespmem:s19+$0xFFFFFFD8];
	[tilespmem:s22+$0xFFFFFFE0] =	vst v3  }
0x18b: {  	[tilespmem:s21+$0xFFFFFFF0] =	vst v4;
	v5 =	vld [tilespmem:s18+$0xFFFFFFE8]  }
0x18c: {  	s31 =	simm.s32 $0x100;
	[tilespmem:s2+$0x0] =	vst v6;
	v6 =	vld [tilespmem:s20+$0xFFFFFFF8]  }
0x18d: {  	v4 =	vor.u32 s31, v2;
	v3 =	vld [tilespmem:s30+$0x0]  }
0x18e: {  	s23 =	simm.s32 $0xA;
	s28 =	simm.s32 $0x12;
	s24 =	simm.s32 $0x10920  }
0x18f: {  	s29 =	simm.s32 $0xA428;
	s25 =	simm.s32 $0x6;
	s26 =	simm.s32 $0xE;
	[tilespmem:s24+$0xFFFFFFE0] =	vst v7  }
.LBB2_20:
0x190: {  	v7 =	vld [tilespmem:s29+$0xFFFFFFD8];
	[tilespmem:s22+$0xFFFFFFF0] =	vst v5;
	p0 =	sne.s32 s28, $0xFE  }
.Ltmp9:
0x191: {  	v5 =	vld [tilespmem:s19+$0xFFFFFFE8];
	[tilespmem:s21+$0x0] =	vst v6;
	s21 =	smov.u32 s22;
	s22 =	smov.u32 s24;
	(pc) =	sbr.rel @p0 .LBB2_20-.Ltmp9, $4  }
0x192: {  	s0 =	sshll.u32 s25, $0x7;
	s25 =	smov.u32 s23;
	s23 =	smov.u32 s26;
	v6 =	vld [tilespmem:s18+$0xFFFFFFF8];
	[tilespmem:v4+s16+$0x0] =	vst.idx.msk vm0, v3  }
0x193: {  	s26 =	smov.u32 s28;
	s28 =	sadd.s32 $0x4, s28;
	v4 =	vor.u32 s0, v2;
	v3 =	vld [tilespmem:s20+$0x0]  }
0x194: {  	s24 =	sadd.s32 $0x200, s24;
	s20 =	smov.u32 s18;
	s18 =	smov.u32 s19  }
0x195: {  	s19 =	smov.u32 s29;
	s29 =	sadd.s32 $0x80, s29;
	[tilespmem:s24+$0xFFFFFFE0] =	vst v7  }
0x196: {  	v7 =	vld [tilespmem:s19+$0xFFFFFFE8];
	_ =	sdelay $0x3  }
0x197: {  	[tilespmem:s22+$0xFFFFFFF0] =	vst v5  }
0x198: {  	v5 =	vld [tilespmem:s18+$0xFFFFFFF8];
	[tilespmem:s24+$0xFFFFFFF0] =	vst v7  }
0x199: {  	v7 =	vld [tilespmem:s19+$0xFFFFFFF8];
	_ =	sdelay $0x2  }
0x19a: {  	s0 =	sshll.u32 s25, $0x7;
	[tilespmem:s21+$0x0] =	vst v6  }
0x19b: {  	s25 =	sshll.u32 s23, $0x7;
	v8 =	vor.u32 s0, v2;
	v6 =	vld [tilespmem:s20+$0x0];
	[tilespmem:s22+$0x0] =	vst v5  }
0x19c: {  	s26 =	sshll.u32 s26, $0x7;
	v9 =	vor.u32 s25, v2;
	v5 =	vld [tilespmem:s18+$0x0];
	[tilespmem:s24+$0x0] =	vst v7  }
0x19d: {  	v10 =	vor.u32 s26, v2;
	v7 =	vld [tilespmem:s19+$0x0];
	_ =	sdelay $0x1  }
0x19e: {  	[tilespmem:v4+s16+$0x0] =	vst.idx.msk vm0, v3  }
0x19f: {  	[tilespmem:v8+s16+$0x0] =	vst.idx.msk vm0, v6  }
0x1a0: {  	[tilespmem:v9+s16+$0x0] =	vst.idx.msk vm0, v5  }
0x1a1: {  	s30 =	simm.s32 $0xE228;
	[tilespmem:v10+s16+$0x0] =	vst.idx.msk vm0, v7  }
0x1a2: {  	v3 =	vld [tilespmem:s30+$0xFFFFFFD8];
	_ =	sdelay $0x3  }
0x1a3: {  	s2 =	simm.s32 $0x103A0;
	s20 =	simm.s32 $0xE2A8  }
0x1a4: {  	[tilespmem:s2+$0xFFFFFFE0] =	vst v3;
	v3 =	vld [tilespmem:s20+$0xFFFFFFD8]  }
0x1a5: {  	v4 =	vld [tilespmem:s30+$0xFFFFFFE8];
	_ =	sdelay $0x2  }
0x1a6: {  	s21 =	simm.s32 $0x105A0;
	s18 =	simm.s32 $0xE328  }
0x1a7: {  	[tilespmem:s21+$0xFFFFFFE0] =	vst v3;
	v3 =	vld [tilespmem:s18+$0xFFFFFFD8]  }
0x1a8: {  	[tilespmem:s2+$0xFFFFFFF0] =	vst v4;
	v4 =	vld [tilespmem:s20+$0xFFFFFFE8]  }
0x1a9: {  	v6 =	vld [tilespmem:s30+$0xFFFFFFF8];
	_ =	sdelay $0x1  }
0x1aa: {  	s22 =	simm.s32 $0x107A0;
	s19 =	simm.s32 $0xE3A8  }
0x1ab: {  	v7 =	vld [tilespmem:s19+$0xFFFFFFD8];
	[tilespmem:s22+$0xFFFFFFE0] =	vst v3  }
0x1ac: {  	[tilespmem:s21+$0xFFFFFFF0] =	vst v4;
	v5 =	vld [tilespmem:s18+$0xFFFFFFE8]  }
0x1ad: {  	s31 =	simm.s32 $0x180;
	[tilespmem:s2+$0x0] =	vst v6;
	v6 =	vld [tilespmem:s20+$0xFFFFFFF8]  }
0x1ae: {  	v4 =	vor.u32 s31, v2;
	v3 =	vld [tilespmem:s30+$0x0]  }
0x1af: {  	s23 =	simm.s32 $0xB;
	s28 =	simm.s32 $0x13;
	s24 =	simm.s32 $0x109A0  }
0x1b0: {  	s29 =	simm.s32 $0xE428;
	s25 =	simm.s32 $0x7;
	s26 =	simm.s32 $0xF;
	[tilespmem:s24+$0xFFFFFFE0] =	vst v7  }
.LBB2_22:
0x1b1: {  	v7 =	vld [tilespmem:s29+$0xFFFFFFD8];
	[tilespmem:s22+$0xFFFFFFF0] =	vst v5;
	p0 =	sne.s32 s28, $0xFF  }
.Ltmp10:
0x1b2: {  	v5 =	vld [tilespmem:s19+$0xFFFFFFE8];
	[tilespmem:s21+$0x0] =	vst v6;
	s21 =	smov.u32 s22;
	s22 =	smov.u32 s24;
	(pc) =	sbr.rel @p0 .LBB2_22-.Ltmp10, $4  }
0x1b3: {  	s0 =	sshll.u32 s25, $0x7;
	s25 =	smov.u32 s23;
	s23 =	smov.u32 s26;
	v6 =	vld [tilespmem:s18+$0xFFFFFFF8];
	[tilespmem:v4+s16+$0x0] =	vst.idx.msk vm0, v3  }
0x1b4: {  	s26 =	smov.u32 s28;
	s28 =	sadd.s32 $0x4, s28;
	v4 =	vor.u32 s0, v2;
	v3 =	vld [tilespmem:s20+$0x0]  }
0x1b5: {  	s24 =	sadd.s32 $0x200, s24;
	s20 =	smov.u32 s18;
	s18 =	smov.u32 s19  }
0x1b6: {  	s19 =	smov.u32 s29;
	s29 =	sadd.s32 $0x80, s29;
	[tilespmem:s24+$0xFFFFFFE0] =	vst v7  }
0x1b7: {  	v7 =	vld [tilespmem:s19+$0xFFFFFFE8];
	_ =	sdelay $0x3  }
0x1b8: {  	[tilespmem:s22+$0xFFFFFFF0] =	vst v5  }
0x1b9: {  	v5 =	vld [tilespmem:s18+$0xFFFFFFF8];
	[tilespmem:s24+$0xFFFFFFF0] =	vst v7  }
0x1ba: {  	v7 =	vld [tilespmem:s19+$0xFFFFFFF8];
	_ =	sdelay $0x2  }
0x1bb: {  	s0 =	sshll.u32 s25, $0x7;
	[tilespmem:s21+$0x0] =	vst v6  }
0x1bc: {  	s30 =	sshll.u32 s23, $0x7;
	v8 =	vor.u32 s0, v2;
	v6 =	vld [tilespmem:s20+$0x0];
	[tilespmem:s22+$0x0] =	vst v5  }
0x1bd: {  	s31 =	sshll.u32 s26, $0x7;
	v9 =	vor.u32 s30, v2;
	v5 =	vld [tilespmem:s18+$0x0];
	[tilespmem:s24+$0x0] =	vst v7  }
0x1be: {  	v10 =	vor.u32 s31, v2;
	v7 =	vld [tilespmem:s19+$0x0];
	_ =	sdelay $0x1  }
0x1bf: {  	[tilespmem:v4+s16+$0x0] =	vst.idx.msk vm0, v3  }
0x1c0: {  	s17 =	sadd.s32 $0x1, s17;
	[tilespmem:v8+s16+$0x0] =	vst.idx.msk vm0, v6  }
0x1c1: {  	p0 =	sne.s32 s17, s8;
	[tilespmem:v9+s16+$0x0] =	vst.idx.msk vm0, v5  }
.Ltmp11:
0x1c2: {  	[tilespmem:v10+s16+$0x0] =	vst.idx.msk vm0, v7;
	(pc) =	sbr.rel @p0 .LBB2_1-.Ltmp11, $4  }
0x1c3: {  	[hbm4b:s7+s3] =	stream.linear.scatter [tilespmem:s16], [sflag:$0x5], $0x8000, $0x38;
	[tilespmem:$0x18280] =	vst v63  }
0x1c4: {  	_ =	swait.ge [sflag:s9], $0x8000  }
0x1c5: {  	[sflag:s9] =	ssyncset.done $0x0  }
0x1c6: {  	[sflag:s9] =	ssyncadd.s32 $0xFFFF8000  }
0x1c7: {  	_ =	sfence.sel $0x180000  }
0x1c8: {  	[bflag:$0x0] =	sbarrier.arrive $0xFFFF  }
0x1c9: {  	_ =	strace $0x90000047  }
0x1ca: {  	s0 =	stileid.u32;
	[bflag:$0x2] =	sbarrier.arrive $0xFFFF  }
0x1cb: {  	p0 =	sne.s32 s0, $0x0;
	s0 =	rddreg [dreg:$0x3]  }
0x1cc: {  	s0 =	sadd.s32 @!p0 $0x100000, s0  }
0x1cd: {  	[sflag:s0] =	ssyncadd.tile.s32 @!p0 $0x1;
	_ =	shalt  }
.Lfunc_end2:
_tile_overlayer_lowered:
.L_overlay_start_2:
0x1ce: {  	(tag) =	ssettag $0x2  }
0x1cf: {  	s0 =	rddreg [dreg:$0x0];
	s2 =	stileid.u32  }
0x1d0: {  	s1 =	rddreg [dreg:$0x1];
	p0 =	sne.s32 s2, $0x0  }
0x1d1: {  	s3 =	rddreg [dreg:$0x2];
	[bflag:$0x3] =	sbarrier.arrive $0xFFFF;
	s2 =	simm.s32 @!p0 $0x1C05  }
0x1d2: {  	[timem:s3], [sflag:s2] =	dma.local @!p0 [hbm:s0], s1  }
0x1d3: {  	s0 =	simm.s32 @!p0 $0x5  }
0x1d4: {  	_ =	swait.ge @!p0 [sflag:s0], s1  }
0x1d5: {  	s1 =	ssub.s32 @!p0 $0x0, s1;
	[sflag:s0] =	ssyncset.done @!p0 $0x0  }
0x1d6: {  	[sflag:s0] =	ssyncadd.s32 @!p0 s1  }
0x1d7: {  	[bflag:$0x3] =	sbarrier.arrive $0xFFFF  }
0x1d8: {  	_ =	shalt  }

</sc_bundles>
